<compile_context>
chip_gen: v7x
topology: tpu7x:2x2x1
jax: 0.10.2.dev20260603
libtpu: 0.0.44.dev20260713+nightly
codegen_flags: <defaults>
</compile_context>

<pallas_src>
import jax
import jax.numpy as jnp
from jax import lax
from jax.experimental import pallas as pl
from jax.experimental.pallas import tpu as pltpu
from jax.experimental.pallas import tpu_sc as plsc

_CODEBOOK_NUM = 2
_CENTROIDS = 256
_CENTROID_LEN = 4
_ROWS = 4096
_COLS = 4096

_NC = 2
_NS = 16
_NW = _NC * _NS

_ROWS_PER_W = _ROWS // _NW
_CODES_PER_ROW = _COLS // _CENTROID_LEN
_CHUNK_ROWS = 8
_CHUNKS = _ROWS_PER_W // _CHUNK_ROWS
_CODES_PER_CHUNK = _CHUNK_ROWS * _CODES_PER_ROW
_GROUPS_PER_ROW = _CODES_PER_ROW // 16
_UNROLL = 4


def _dequant_body(codes_hbm, books_hbm, scales_hbm, out_hbm,
                  table_v, book_v, scales_v, codes_v0, codes_v1, out_v0, out_v1,
                  in_sem0, in_sem1, out_sem0, out_sem1):
    codes_bufs = [codes_v0, codes_v1]
    out_bufs = [out_v0, out_v1]
    wid = lax.axis_index("s") * _NC + lax.axis_index("c")
    row0 = wid * _ROWS_PER_W
    book = wid // (_NW // 2)
    boff = (wid % (_NW // 2)) * (_ROWS_PER_W * _CODES_PER_ROW)

    iota = lax.iota(jnp.int32, 16)
    rep_patterns = [(iota >> 2) + 4 * j for j in range(4)]
    zero16 = jnp.full((16,), 0, jnp.int32)
    elem_pat = iota & 3

    in_sems = [in_sem0, in_sem1]
    out_sems = [out_sem0, out_sem1]

    def in_desc(c, buf):
        return pltpu.make_async_copy(
            codes_hbm.at[pl.ds(book, 1),
                         pl.ds(boff + c * _CODES_PER_CHUNK, _CODES_PER_CHUNK)],
            codes_bufs[buf], in_sems[buf])

    def out_desc(c, buf):
        return pltpu.make_async_copy(
            out_bufs[buf],
            out_hbm.at[pl.ds(row0 + c * _CHUNK_ROWS, _CHUNK_ROWS), :],
            out_sems[buf])

    def compute(buf, c):
        codes_ref = codes_bufs[buf]
        out_ref = out_bufs[buf]

        def row_body(r, _):
            row = c * _CHUNK_ROWS + r
            scale = plsc.load_gather(scales_v, [zero16 + row])

            @plsc.parallel_loop(0, _GROUPS_PER_ROW, unroll=_UNROLL)
            def group_body(g):
                code_v = codes_ref[0, pl.ds(r * _CODES_PER_ROW + g * 16, 16)]
                for j in range(4):
                    rep = jnp.take_along_axis(code_v, rep_patterns[j], axis=0)
                    idx = (rep << 4) | iota
                    gj = plsc.load_gather(table_v, [idx])
                    out_ref[r, pl.ds(g * 64 + 16 * j, 16)] = gj * scale

            return 0

        lax.fori_loop(0, _CHUNK_ROWS, row_body, 0)

    in_desc(0, 0).start()
    in_desc(1, 1).start()

    pltpu.sync_copy(books_hbm.at[pl.ds(book, 1), :], book_v)
    pltpu.sync_copy(scales_hbm.at[pl.ds(row0, _ROWS_PER_W)], scales_v)

    @plsc.parallel_loop(0, _CENTROIDS, unroll=4)
    def expand_body(m):
        vals = plsc.load_gather(book_v, [zero16, elem_pat + m * 4])
        table_v[pl.ds(m * 16, 16)] = vals

    def pair_body(s, _):
        for b in range(2):
            c = s * 2 + b
            in_desc(c, b).wait()

            @pl.when(s > 0)
            def _():
                out_desc(c, b).wait()

            compute(b, c)

            @pl.when(s < _CHUNKS // 2 - 1)
            def _():
                in_desc(c + 2, b).start()

            out_desc(c, b).start()
        return 0

    lax.fori_loop(0, _CHUNKS // 2, pair_body, 0)

    out_desc(_CHUNKS - 2, 0).wait()
    out_desc(_CHUNKS - 1, 1).wait()


@jax.jit
def _dequant(codes, codebooks, scales):
    mesh = plsc.VectorSubcoreMesh(
        core_axis_name="c", subcore_axis_name="s",
        num_cores=_NC, num_subcores=_NS)
    kfn = pl.kernel(
        _dequant_body,
        out_type=jax.ShapeDtypeStruct((_ROWS, _COLS), jnp.float32),
        mesh=mesh,
        compiler_params=pltpu.CompilerParams(needs_layout_passes=False),
        scratch_types=[
            pltpu.VMEM((_CENTROIDS * 16,), jnp.float32),
            pltpu.VMEM((1, _CENTROIDS * _CENTROID_LEN), jnp.float32),
            pltpu.VMEM((_ROWS_PER_W,), jnp.float32),
            pltpu.VMEM((1, _CODES_PER_CHUNK), jnp.int32),
            pltpu.VMEM((1, _CODES_PER_CHUNK), jnp.int32),
            pltpu.VMEM((_CHUNK_ROWS, _COLS), jnp.float32),
            pltpu.VMEM((_CHUNK_ROWS, _COLS), jnp.float32),
            pltpu.SemaphoreType.DMA,
            pltpu.SemaphoreType.DMA,
            pltpu.SemaphoreType.DMA,
            pltpu.SemaphoreType.DMA,
        ],
    )
    return kfn(codes, codebooks, scales)


def kernel(codes, codebooks, scales):
    return _dequant(codes, codebooks.reshape(_CODEBOOK_NUM, -1),
                    scales.reshape(-1))

# --- scband reference (transcript-rebuilt; emitter-appended) ---
"""Pipeline reference for scband-quantization-27771258536790 (READ-ONLY COPY).

The authoritative reference and input builder live on the scoring server;
editing this copy changes nothing except your own understanding.
"""

import jax, jax.numpy as jnp
import numpy as np

CODEBOOK_NUM = 2
CENTROIDS = 256
CENTROID_LEN = 4
ROWS = 4096
COLS = 4096
BLOCK = 4096
N_CODES = ROWS * COLS // CENTROID_LEN  # 4_194_304
PER_BOOK = N_CODES // CODEBOOK_NUM     # 2_097_152
N_SCALES = ROWS * COLS // BLOCK        # 4096


def setup_inputs(seed: int = 0) -> dict:
    key = jax.random.key(seed)
    k1, k2, k3 = jax.random.split(key, 3)
    codes = jax.random.randint(k1, (CODEBOOK_NUM, PER_BOOK), 0, CENTROIDS, dtype=jnp.int32)
    codebooks = jax.random.normal(k2, (CODEBOOK_NUM, CENTROIDS, CENTROID_LEN), dtype=jnp.float32)
    scales = jax.random.uniform(k3, (N_SCALES, 1), dtype=jnp.float32) + 0.5
    return {"codes": codes, "codebooks": codebooks, "scales": scales}


def reference(codes, codebooks, scales):
    # Faithful jax translation of Quantization.differentiable_dequantize():
    #   codes[i] += centroids_num * i  (offset each codebook's codes into the flattened codebook)
    #   embedding_bag with offsets == arange(N) and mode='sum' reduces to a plain gather
    book_offsets = (jnp.arange(CODEBOOK_NUM, dtype=codes.dtype) * CENTROIDS)[:, None]
    codes_shifted = (codes + book_offsets).reshape(-1)              # [N_CODES]
    flat_codebook = codebooks.reshape(CODEBOOK_NUM * CENTROIDS, CENTROID_LEN)  # [512, 4]
    reconstruct = jnp.take(flat_codebook, codes_shifted, axis=0)    # [N_CODES, 4]
    reconstruct = reconstruct.reshape(-1, BLOCK) * scales           # [4096, 4096] * [4096, 1]
    return reconstruct.reshape(ROWS, COLS)

if __name__ == "__main__":
    import jax
    _d = setup_inputs()
    print(jax.jit(kernel)(*tuple(_d.values())))

</pallas_src>

<mosaic_0001>
#map = affine_map<(d0, d1) -> (0, 0)>
#map1 = affine_map<(d0, d1) -> (0)>
module attributes {stable_mosaic.version = 14 : i64} {
  func.func @_dequant_body(%arg0: i32, %arg1: i32, %arg2: memref<2x2097152xi32, #tpu.memory_space<hbm>>, %arg3: memref<2x1024xf32, #tpu.memory_space<hbm>>, %arg4: memref<4096xf32, #tpu.memory_space<hbm>>, %arg5: memref<4096x4096xf32, #tpu.memory_space<hbm>>, %arg6: memref<4096xf32, #tpu.memory_space<vmem>>, %arg7: memref<1x1024xf32, #tpu.memory_space<vmem>>, %arg8: memref<128xf32, #tpu.memory_space<vmem>>, %arg9: memref<1x8192xi32, #tpu.memory_space<vmem>>, %arg10: memref<1x8192xi32, #tpu.memory_space<vmem>>, %arg11: memref<8x4096xf32, #tpu.memory_space<vmem>>, %arg12: memref<8x4096xf32, #tpu.memory_space<vmem>>, %arg13: memref<!tpu.dma_semaphore, #tpu.memory_space<semaphore_mem>>, %arg14: memref<!tpu.dma_semaphore, #tpu.memory_space<semaphore_mem>>, %arg15: memref<!tpu.dma_semaphore, #tpu.memory_space<semaphore_mem>>, %arg16: memref<!tpu.dma_semaphore, #tpu.memory_space<semaphore_mem>>) attributes {dimension_semantics = [#tpu.dimension_semantics<core_parallel>, #tpu.dimension_semantics<subcore_parallel>], iteration_bounds = array<i64: 2, 16>, scalar_prefetch = 0 : i64, scratch_operands = 11 : i64, tpu.core_type = #tpu.core_type<sc_vector_subcore>, window_params = [{transform_indices = #map}, {transform_indices = #map}, {transform_indices = #map1}, {transform_indices = #map}]} {
    %mul3A = arith.constant 2 : i32
    %mul3A_0 = arith.muli %arg1, %mul3A : i32
    %add3A = arith.addi %mul3A_0, %arg0 : i32
    %mul3A_1 = arith.constant 128 : i32
    %mul3A_2 = arith.muli %add3A, %mul3A_1 : i32
    %jit3A = arith.constant 16 : i32
    %div3A = arith.divsi %add3A, %jit3A : i32
    %sign3A = arith.constant 0 : i32
    %sign3A_3 = arith.cmpi sgt, %add3A, %sign3A : i32
    %sign3A_4 = arith.extui %sign3A_3 : i1 to i32
    %sign3A_5 = arith.constant 0 : i32
    %sign3A_6 = arith.cmpi slt, %add3A, %sign3A_5 : i32
    %sign3A_7 = arith.extui %sign3A_6 : i1 to i32
    %sign3A_8 = arith.subi %sign3A_4, %sign3A_7 : i32
    %sign3A_9 = arith.constant 0 : i32
    %sign3A_10 = arith.cmpi sgt, %jit3A, %sign3A_9 : i32
    %sign3A_11 = arith.extui %sign3A_10 : i1 to i32
    %sign3A_12 = arith.constant 0 : i32
    %sign3A_13 = arith.cmpi slt, %jit3A, %sign3A_12 : i32
    %sign3A_14 = arith.extui %sign3A_13 : i1 to i32
    %sign3A_15 = arith.subi %sign3A_11, %sign3A_14 : i32
    %ne3A = arith.cmpi ne, %sign3A_8, %sign3A_15 : i32
    %rem3A = arith.remsi %add3A, %jit3A : i32
    %ne3A_16 = arith.constant 0 : i32
    %ne3A_17 = arith.cmpi ne, %rem3A, %ne3A_16 : i32
    %and3A = arith.andi %ne3A, %ne3A_17 : i1
    %sub3A = arith.constant 1 : i32
    %sub3A_18 = arith.subi %div3A, %sub3A : i32
    %select_n3A = arith.select %and3A, %sub3A_18, %div3A : i32
    %jit3A_19 = arith.constant 16 : i32
    %eq3A = arith.constant 0 : i32
    %eq3A_20 = arith.cmpi eq, %jit3A_19, %eq3A : i32
    %jit3A_21 = arith.constant 1 : i32
    %select_n3A_22 = arith.select %eq3A_20, %jit3A_21, %jit3A_19 : i32
    %rem3A_23 = arith.remsi %add3A, %select_n3A_22 : i32
    %ne3A_24 = arith.constant 0 : i32
    %ne3A_25 = arith.cmpi ne, %rem3A_23, %ne3A_24 : i32
    %lt3A = arith.constant 0 : i32
    %lt3A_26 = arith.cmpi slt, %rem3A_23, %lt3A : i32
    %lt3A_27 = arith.constant 0 : i32
    %lt3A_28 = arith.cmpi slt, %select_n3A_22, %lt3A_27 : i32
    %ne3A_29 = arith.xori %lt3A_26, %lt3A_28 : i1
    %and3A_30 = arith.andi %ne3A_29, %ne3A_25 : i1
    %add3A_31 = arith.addi %rem3A_23, %select_n3A_22 : i32
    %select_n3A_32 = arith.select %and3A_30, %add3A_31, %rem3A_23 : i32
    %mul3A_33 = arith.constant 131072 : i32
    %mul3A_34 = arith.muli %select_n3A_32, %mul3A_33 : i32
    %iota3A = tpu.iota {dimensions = array<i32: 0>} : vector<16xi32>
    %shift_right_arithmetic3A = arith.constant 2 : i32
    %shift_right_arithmetic3A_35 = vector.broadcast %shift_right_arithmetic3A : i32 to vector<16xi32>
    %shift_right_arithmetic3A_36 = arith.shrsi %iota3A, %shift_right_arithmetic3A_35 : vector<16xi32>
    %add3A_37 = arith.constant 0 : i32
    %add3A_38 = vector.broadcast %add3A_37 : i32 to vector<16xi32>
    %add3A_39 = arith.addi %shift_right_arithmetic3A_36, %add3A_38 : vector<16xi32>
    %shift_right_arithmetic3A_40 = arith.constant 2 : i32
    %shift_right_arithmetic3A_41 = vector.broadcast %shift_right_arithmetic3A_40 : i32 to vector<16xi32>
    %shift_right_arithmetic3A_42 = arith.shrsi %iota3A, %shift_right_arithmetic3A_41 : vector<16xi32>
    %add3A_43 = arith.constant 4 : i32
    %add3A_44 = vector.broadcast %add3A_43 : i32 to vector<16xi32>
    %add3A_45 = arith.addi %shift_right_arithmetic3A_42, %add3A_44 : vector<16xi32>
    %shift_right_arithmetic3A_46 = arith.constant 2 : i32
    %shift_right_arithmetic3A_47 = vector.broadcast %shift_right_arithmetic3A_46 : i32 to vector<16xi32>
    %shift_right_arithmetic3A_48 = arith.shrsi %iota3A, %shift_right_arithmetic3A_47 : vector<16xi32>
    %add3A_49 = arith.constant 8 : i32
    %add3A_50 = vector.broadcast %add3A_49 : i32 to vector<16xi32>
    %add3A_51 = arith.addi %shift_right_arithmetic3A_48, %add3A_50 : vector<16xi32>
    %shift_right_arithmetic3A_52 = arith.constant 2 : i32
    %shift_right_arithmetic3A_53 = vector.broadcast %shift_right_arithmetic3A_52 : i32 to vector<16xi32>
    %shift_right_arithmetic3A_54 = arith.shrsi %iota3A, %shift_right_arithmetic3A_53 : vector<16xi32>
    %add3A_55 = arith.constant 12 : i32
    %add3A_56 = vector.broadcast %add3A_55 : i32 to vector<16xi32>
    %add3A_57 = arith.addi %shift_right_arithmetic3A_54, %add3A_56 : vector<16xi32>
    %broadcast_in_dim3A = arith.constant 0 : i32
    %broadcast_in_dim3A_58 = vector.broadcast %broadcast_in_dim3A : i32 to vector<16xi32>
    %and3A_59 = arith.constant 3 : i32
    %and3A_60 = vector.broadcast %and3A_59 : i32 to vector<16xi32>
    %and3A_61 = arith.andi %iota3A, %and3A_60 : vector<16xi32>
    %add3A_62 = arith.constant 0 : i32
    %add3A_63 = arith.addi %mul3A_34, %add3A_62 : i32
    %dma_start3A = tpu.memref_slice %arg2[%select_n3A, %add3A_63] : memref<2x2097152xi32, #tpu.memory_space<hbm>> -> memref<1x8192xi32, #tpu.memory_space<hbm>>
    %dma_start3A_64 = tpu.memref_slice %arg2[%select_n3A, %add3A_63] : memref<2x2097152xi32, #tpu.memory_space<hbm>> -> memref<1x8192xi32, #tpu.memory_space<hbm>>
    tpu.enqueue_dma source(%dma_start3A_64 : memref<1x8192xi32, #tpu.memory_space<hbm>>) target(%arg9 : memref<1x8192xi32, #tpu.memory_space<vmem>>) target_semaphore(%arg13 : memref<!tpu.dma_semaphore, #tpu.memory_space<semaphore_mem>>)
    %add3A_65 = arith.constant 8192 : i32
    %add3A_66 = arith.addi %mul3A_34, %add3A_65 : i32
    %dma_start3A_67 = tpu.memref_slice %arg2[%select_n3A, %add3A_66] : memref<2x2097152xi32, #tpu.memory_space<hbm>> -> memref<1x8192xi32, #tpu.memory_space<hbm>>
    %dma_start3A_68 = tpu.memref_slice %arg2[%select_n3A, %add3A_66] : memref<2x2097152xi32, #tpu.memory_space<hbm>> -> memref<1x8192xi32, #tpu.memory_space<hbm>>
    tpu.enqueue_dma source(%dma_start3A_68 : memref<1x8192xi32, #tpu.memory_space<hbm>>) target(%arg10 : memref<1x8192xi32, #tpu.memory_space<vmem>>) target_semaphore(%arg14 : memref<!tpu.dma_semaphore, #tpu.memory_space<semaphore_mem>>)
    "tpu.region"() ({
      %run_scoped3A = tpu.sem_alloc : memref<!tpu.dma_semaphore, #tpu.memory_space<semaphore_mem>>
      %dma_start3A_88 = arith.constant 0 : i32
      %dma_start3A_89 = tpu.memref_slice %arg3[%select_n3A, %dma_start3A_88] : memref<2x1024xf32, #tpu.memory_space<hbm>> -> memref<1x1024xf32, #tpu.memory_space<hbm>>
      %dma_start3A_90 = arith.constant 0 : i32
      %dma_start3A_91 = tpu.memref_slice %arg3[%select_n3A, %dma_start3A_90] : memref<2x1024xf32, #tpu.memory_space<hbm>> -> memref<1x1024xf32, #tpu.memory_space<hbm>>
      tpu.enqueue_dma source(%dma_start3A_91 : memref<1x1024xf32, #tpu.memory_space<hbm>>) target(%arg7 : memref<1x1024xf32, #tpu.memory_space<vmem>>) target_semaphore(%run_scoped3A : memref<!tpu.dma_semaphore, #tpu.memory_space<semaphore_mem>>)
      %dma_wait3A_92 = arith.constant 0 : i32
      %dma_wait3A_93 = tpu.memref_slice %arg3[%select_n3A, %dma_wait3A_92] : memref<2x1024xf32, #tpu.memory_space<hbm>> -> memref<1x1024xf32, #tpu.memory_space<hbm>>
      %dma_wait3A_94 = arith.constant 0 : i32
      %dma_wait3A_95 = tpu.memref_slice %arg3[%select_n3A, %dma_wait3A_94] : memref<2x1024xf32, #tpu.memory_space<hbm>> -> memref<1x1024xf32, #tpu.memory_space<hbm>>
      tpu.wait_dma2 semaphore(%run_scoped3A : memref<!tpu.dma_semaphore, #tpu.memory_space<semaphore_mem>>) src(%dma_wait3A_95 : memref<1x1024xf32, #tpu.memory_space<hbm>>) dst(%arg7 : memref<1x1024xf32, #tpu.memory_space<vmem>>)
      tpu.yield
    }) : () -> ()
    "tpu.region"() ({
      %run_scoped3A = tpu.sem_alloc : memref<!tpu.dma_semaphore, #tpu.memory_space<semaphore_mem>>
      %dma_start3A_88 = tpu.memref_slice %arg4[%mul3A_2] : memref<4096xf32, #tpu.memory_space<hbm>> -> memref<128xf32, #tpu.memory_space<hbm>>
      %dma_start3A_89 = tpu.memref_slice %arg4[%mul3A_2] : memref<4096xf32, #tpu.memory_space<hbm>> -> memref<128xf32, #tpu.memory_space<hbm>>
      tpu.enqueue_dma source(%dma_start3A_89 : memref<128xf32, #tpu.memory_space<hbm>>) target(%arg8 : memref<128xf32, #tpu.memory_space<vmem>>) target_semaphore(%run_scoped3A : memref<!tpu.dma_semaphore, #tpu.memory_space<semaphore_mem>>)
      %dma_wait3A_90 = tpu.memref_slice %arg4[%mul3A_2] : memref<4096xf32, #tpu.memory_space<hbm>> -> memref<128xf32, #tpu.memory_space<hbm>>
      %dma_wait3A_91 = tpu.memref_slice %arg4[%mul3A_2] : memref<4096xf32, #tpu.memory_space<hbm>> -> memref<128xf32, #tpu.memory_space<hbm>>
      tpu.wait_dma2 semaphore(%run_scoped3A : memref<!tpu.dma_semaphore, #tpu.memory_space<semaphore_mem>>) src(%dma_wait3A_91 : memref<128xf32, #tpu.memory_space<hbm>>) dst(%arg8 : memref<128xf32, #tpu.memory_space<vmem>>)
      tpu.yield
    }) : () -> ()
    %parallel_loop3A = arith.constant 0 : i32
    %parallel_loop3A_69 = arith.constant 256 : i32
    %parallel_loop3A_70 = arith.constant 1 : i32
    scf.for %parallel_loop3A_88 = %parallel_loop3A to %parallel_loop3A_69 step %parallel_loop3A_70  : i32 {
      %parallel_loop3A_89 = arith.constant 4 : i32
      %parallel_loop3A_90 = arith.muli %parallel_loop3A_88, %parallel_loop3A_89 : i32
      %parallel_loop3A_91 = vector.broadcast %parallel_loop3A_90 : i32 to vector<16xi32>
      %parallel_loop3A_92 = arith.addi %and3A_61, %parallel_loop3A_91 : vector<16xi32>
      %parallel_loop3A_93 = tpu.vector_load_idx %arg7[%broadcast_in_dim3A_58, %parallel_loop3A_92] : memref<1x1024xf32, #tpu.memory_space<vmem>>[vector<16xi32>, vector<16xi32>], vector<16xf32>,
      %parallel_loop3A_94 = arith.constant 16 : i32
      %parallel_loop3A_95 = arith.muli %parallel_loop3A_88, %parallel_loop3A_94 : i32
      %parallel_loop3A_96 = arith.index_cast %parallel_loop3A_95 : i32 to index
      %parallel_loop3A_97 = tpu.vector_load %arg6[%parallel_loop3A_96] {strides = array<i32>} : memref<4096xf32, #tpu.memory_space<vmem>>, vector<16xf32>,
      tpu.vector_store %arg6[%parallel_loop3A_96], %parallel_loop3A_93 {strides = array<i32>} : memref<4096xf32, #tpu.memory_space<vmem>>, vector<16xf32>,
    } {sc.loop_unroll_factor = 4 : i64, sc.parallel_access}
    %scan3A = arith.constant 0 : i32
    %scan3A_71 = arith.constant 0 : i32
    %scan3A_72 = arith.constant 8 : i32
    %scan3A_73 = arith.addi %scan3A_71, %scan3A_72 : i32
    %scan3A_74 = arith.constant 1 : i32
    %scan3A_75 = scf.for %scan3A_88 = %scan3A_71 to %scan3A_73 step %scan3A_74 iter_args(%scan3A_89 = %scan3A) -> (i32)  : i32 {
      %mul3A_90 = arith.constant 2 : i32
      %mul3A_91 = arith.muli %scan3A_88, %mul3A_90 : i32
      %add3A_92 = arith.constant 0 : i32
      %add3A_93 = arith.addi %mul3A_91, %add3A_92 : i32
      %mul3A_94 = arith.constant 8192 : i32
      %mul3A_95 = arith.muli %add3A_93, %mul3A_94 : i32
      %add3A_96 = arith.addi %mul3A_34, %mul3A_95 : i32
      %dma_wait3A_97 = tpu.memref_slice %arg2[%select_n3A, %add3A_96] : memref<2x2097152xi32, #tpu.memory_space<hbm>> -> memref<1x8192xi32, #tpu.memory_space<hbm>>
      %dma_wait3A_98 = tpu.memref_slice %arg2[%select_n3A, %add3A_96] : memref<2x2097152xi32, #tpu.memory_space<hbm>> -> memref<1x8192xi32, #tpu.memory_space<hbm>>
      tpu.wait_dma2 semaphore(%arg13 : memref<!tpu.dma_semaphore, #tpu.memory_space<semaphore_mem>>) src(%dma_wait3A_98 : memref<1x8192xi32, #tpu.memory_space<hbm>>) dst(%arg9 : memref<1x8192xi32, #tpu.memory_space<vmem>>)
      %gt3A = arith.constant 0 : i32
      %gt3A_99 = arith.cmpi sgt, %scan3A_88, %gt3A : i32
      %convert_element_type3A = arith.extui %gt3A_99 : i1 to i32
      %cond3A = arith.constant 0 : i32
      %cond3A_100 = arith.cmpi ne, %convert_element_type3A, %cond3A : i32
      scf.if %cond3A_100 {
        %mul3A_154 = arith.constant 8 : i32
        %mul3A_155 = arith.muli %add3A_93, %mul3A_154 : i32
        %add3A_156 = arith.addi %mul3A_2, %mul3A_155 : i32
        %dma_wait3A_157 = arith.constant 0 : i32
        %dma_wait3A_158 = tpu.memref_slice %arg5[%add3A_156, %dma_wait3A_157] : memref<4096x4096xf32, #tpu.memory_space<hbm>> -> memref<8x4096xf32, #tpu.memory_space<hbm>>
        %dma_wait3A_159 = arith.constant 0 : i32
        %dma_wait3A_160 = tpu.memref_slice %arg5[%add3A_156, %dma_wait3A_159] : memref<4096x4096xf32, #tpu.memory_space<hbm>> -> memref<8x4096xf32, #tpu.memory_space<hbm>>
        tpu.wait_dma2 semaphore(%arg15 : memref<!tpu.dma_semaphore, #tpu.memory_space<semaphore_mem>>) src(%arg11 : memref<8x4096xf32, #tpu.memory_space<vmem>>) dst(%dma_wait3A_160 : memref<8x4096xf32, #tpu.memory_space<hbm>>)
      } else {
      }
      %scan3A_101 = arith.constant 0 : i32
      %scan3A_102 = arith.constant 0 : i32
      %scan3A_103 = arith.constant 8 : i32
      %scan3A_104 = arith.addi %scan3A_102, %scan3A_103 : i32
      %scan3A_105 = arith.constant 1 : i32
      %scan3A_106 = scf.for %scan3A_154 = %scan3A_102 to %scan3A_104 step %scan3A_105 iter_args(%scan3A_155 = %scan3A_101) -> (i32)  : i32 {
        %mul3A_156 = arith.constant 8 : i32
        %mul3A_157 = arith.muli %add3A_93, %mul3A_156 : i32
        %add3A_158 = arith.addi %mul3A_157, %scan3A_154 : i32
        %add3A_159 = vector.broadcast %add3A_158 : i32 to vector<16xi32>
        %add3A_160 = arith.addi %broadcast_in_dim3A_58, %add3A_159 : vector<16xi32>
        %gather3A = tpu.vector_load_idx %arg8[%add3A_160] : memref<128xf32, #tpu.memory_space<vmem>>[vector<16xi32>], vector<16xf32>,
        %parallel_loop3A_161 = arith.constant 0 : i32
        %parallel_loop3A_162 = arith.constant 64 : i32
        %parallel_loop3A_163 = arith.constant 1 : i32
        scf.for %parallel_loop3A_165 = %parallel_loop3A_161 to %parallel_loop3A_162 step %parallel_loop3A_163  : i32 {
          %parallel_loop3A_166 = arith.constant 1024 : i32
          %parallel_loop3A_167 = arith.muli %scan3A_154, %parallel_loop3A_166 : i32
          %parallel_loop3A_168 = arith.constant 16 : i32
          %parallel_loop3A_169 = arith.muli %parallel_loop3A_165, %parallel_loop3A_168 : i32
          %parallel_loop3A_170 = arith.addi %parallel_loop3A_167, %parallel_loop3A_169 : i32
          %parallel_loop3A_171 = arith.constant 0 : i32
          %parallel_loop3A_172 = arith.index_cast %parallel_loop3A_171 : i32 to index
          %parallel_loop3A_173 = arith.index_cast %parallel_loop3A_170 : i32 to index
          %parallel_loop3A_174 = tpu.vector_load %arg9[%parallel_loop3A_172, %parallel_loop3A_173] {strides = array<i32>} : memref<1x8192xi32, #tpu.memory_space<vmem>>, vector<16xi32>,
          %parallel_loop3A_175 = arith.constant 0 : i32
          %parallel_loop3A_176 = vector.broadcast %parallel_loop3A_175 : i32 to vector<16xi32>
          %parallel_loop3A_177 = arith.cmpi slt, %add3A_39, %parallel_loop3A_176 : vector<16xi32>
          %parallel_loop3A_178 = arith.constant 16 : i32
          %parallel_loop3A_179 = vector.broadcast %parallel_loop3A_178 : i32 to vector<16xi32>
          %parallel_loop3A_180 = arith.addi %add3A_39, %parallel_loop3A_179 : vector<16xi32>
          %parallel_loop3A_181 = arith.select %parallel_loop3A_177, %parallel_loop3A_180, %add3A_39 : vector<16xi1>, vector<16xi32>
          %parallel_loop3A_182 = vector.shape_cast %parallel_loop3A_181 : vector<16xi32> to vector<16x1xi32>
          %parallel_loop3A_183 = vector.shape_cast %parallel_loop3A_182 : vector<16x1xi32> to vector<16xi32>
          %parallel_loop3A_184 = tpu.dynamic_gather %parallel_loop3A_174[%parallel_loop3A_183] in [0] : vector<16xi32>, vector<16xi32> -> vector<16xi32>
          %parallel_loop3A_185 = arith.constant 4 : i32
          %parallel_loop3A_186 = vector.broadcast %parallel_loop3A_185 : i32 to vector<16xi32>
          %parallel_loop3A_187 = arith.shli %parallel_loop3A_184, %parallel_loop3A_186 : vector<16xi32>
          %parallel_loop3A_188 = arith.ori %parallel_loop3A_187, %iota3A : vector<16xi32>
          %parallel_loop3A_189 = tpu.vector_load_idx %arg6[%parallel_loop3A_188] : memref<4096xf32, #tpu.memory_space<vmem>>[vector<16xi32>], vector<16xf32>,
          %parallel_loop3A_190 = arith.mulf %parallel_loop3A_189, %gather3A : vector<16xf32>
          %parallel_loop3A_191 = arith.constant 64 : i32
          %parallel_loop3A_192 = arith.muli %parallel_loop3A_165, %parallel_loop3A_191 : i32
          %parallel_loop3A_193 = arith.constant 0 : i32
          %parallel_loop3A_194 = arith.addi %parallel_loop3A_192, %parallel_loop3A_193 : i32
          %parallel_loop3A_195 = arith.index_cast %scan3A_154 : i32 to index
          %parallel_loop3A_196 = arith.index_cast %parallel_loop3A_194 : i32 to index
          %parallel_loop3A_197 = tpu.vector_load %arg11[%parallel_loop3A_195, %parallel_loop3A_196] {strides = array<i32>} : memref<8x4096xf32, #tpu.memory_space<vmem>>, vector<16xf32>,
          tpu.vector_store %arg11[%parallel_loop3A_195, %parallel_loop3A_196], %parallel_loop3A_190 {strides = array<i32>} : memref<8x4096xf32, #tpu.memory_space<vmem>>, vector<16xf32>,
          %parallel_loop3A_198 = arith.constant 0 : i32
          %parallel_loop3A_199 = vector.broadcast %parallel_loop3A_198 : i32 to vector<16xi32>
          %parallel_loop3A_200 = arith.cmpi slt, %add3A_45, %parallel_loop3A_199 : vector<16xi32>
          %parallel_loop3A_201 = arith.constant 16 : i32
          %parallel_loop3A_202 = vector.broadcast %parallel_loop3A_201 : i32 to vector<16xi32>
          %parallel_loop3A_203 = arith.addi %add3A_45, %parallel_loop3A_202 : vector<16xi32>
          %parallel_loop3A_204 = arith.select %parallel_loop3A_200, %parallel_loop3A_203, %add3A_45 : vector<16xi1>, vector<16xi32>
          %parallel_loop3A_205 = vector.shape_cast %parallel_loop3A_204 : vector<16xi32> to vector<16x1xi32>
          %parallel_loop3A_206 = vector.shape_cast %parallel_loop3A_205 : vector<16x1xi32> to vector<16xi32>
          %parallel_loop3A_207 = tpu.dynamic_gather %parallel_loop3A_174[%parallel_loop3A_206] in [0] : vector<16xi32>, vector<16xi32> -> vector<16xi32>
          %parallel_loop3A_208 = arith.constant 4 : i32
          %parallel_loop3A_209 = vector.broadcast %parallel_loop3A_208 : i32 to vector<16xi32>
          %parallel_loop3A_210 = arith.shli %parallel_loop3A_207, %parallel_loop3A_209 : vector<16xi32>
          %parallel_loop3A_211 = arith.ori %parallel_loop3A_210, %iota3A : vector<16xi32>
          %parallel_loop3A_212 = tpu.vector_load_idx %arg6[%parallel_loop3A_211] : memref<4096xf32, #tpu.memory_space<vmem>>[vector<16xi32>], vector<16xf32>,
          %parallel_loop3A_213 = arith.mulf %parallel_loop3A_212, %gather3A : vector<16xf32>
          %parallel_loop3A_214 = arith.constant 64 : i32
          %parallel_loop3A_215 = arith.muli %parallel_loop3A_165, %parallel_loop3A_214 : i32
          %parallel_loop3A_216 = arith.constant 16 : i32
          %parallel_loop3A_217 = arith.addi %parallel_loop3A_215, %parallel_loop3A_216 : i32
          %parallel_loop3A_218 = arith.index_cast %scan3A_154 : i32 to index
          %parallel_loop3A_219 = arith.index_cast %parallel_loop3A_217 : i32 to index
          %parallel_loop3A_220 = tpu.vector_load %arg11[%parallel_loop3A_218, %parallel_loop3A_219] {strides = array<i32>} : memref<8x4096xf32, #tpu.memory_space<vmem>>, vector<16xf32>,
          tpu.vector_store %arg11[%parallel_loop3A_218, %parallel_loop3A_219], %parallel_loop3A_213 {strides = array<i32>} : memref<8x4096xf32, #tpu.memory_space<vmem>>, vector<16xf32>,
          %parallel_loop3A_221 = arith.constant 0 : i32
          %parallel_loop3A_222 = vector.broadcast %parallel_loop3A_221 : i32 to vector<16xi32>
          %parallel_loop3A_223 = arith.cmpi slt, %add3A_51, %parallel_loop3A_222 : vector<16xi32>
          %parallel_loop3A_224 = arith.constant 16 : i32
          %parallel_loop3A_225 = vector.broadcast %parallel_loop3A_224 : i32 to vector<16xi32>
          %parallel_loop3A_226 = arith.addi %add3A_51, %parallel_loop3A_225 : vector<16xi32>
          %parallel_loop3A_227 = arith.select %parallel_loop3A_223, %parallel_loop3A_226, %add3A_51 : vector<16xi1>, vector<16xi32>
          %parallel_loop3A_228 = vector.shape_cast %parallel_loop3A_227 : vector<16xi32> to vector<16x1xi32>
          %parallel_loop3A_229 = vector.shape_cast %parallel_loop3A_228 : vector<16x1xi32> to vector<16xi32>
          %parallel_loop3A_230 = tpu.dynamic_gather %parallel_loop3A_174[%parallel_loop3A_229] in [0] : vector<16xi32>, vector<16xi32> -> vector<16xi32>
          %parallel_loop3A_231 = arith.constant 4 : i32
          %parallel_loop3A_232 = vector.broadcast %parallel_loop3A_231 : i32 to vector<16xi32>
          %parallel_loop3A_233 = arith.shli %parallel_loop3A_230, %parallel_loop3A_232 : vector<16xi32>
          %parallel_loop3A_234 = arith.ori %parallel_loop3A_233, %iota3A : vector<16xi32>
          %parallel_loop3A_235 = tpu.vector_load_idx %arg6[%parallel_loop3A_234] : memref<4096xf32, #tpu.memory_space<vmem>>[vector<16xi32>], vector<16xf32>,
          %parallel_loop3A_236 = arith.mulf %parallel_loop3A_235, %gather3A : vector<16xf32>
          %parallel_loop3A_237 = arith.constant 64 : i32
          %parallel_loop3A_238 = arith.muli %parallel_loop3A_165, %parallel_loop3A_237 : i32
          %parallel_loop3A_239 = arith.constant 32 : i32
          %parallel_loop3A_240 = arith.addi %parallel_loop3A_238, %parallel_loop3A_239 : i32
          %parallel_loop3A_241 = arith.index_cast %scan3A_154 : i32 to index
          %parallel_loop3A_242 = arith.index_cast %parallel_loop3A_240 : i32 to index
          %parallel_loop3A_243 = tpu.vector_load %arg11[%parallel_loop3A_241, %parallel_loop3A_242] {strides = array<i32>} : memref<8x4096xf32, #tpu.memory_space<vmem>>, vector<16xf32>,
          tpu.vector_store %arg11[%parallel_loop3A_241, %parallel_loop3A_242], %parallel_loop3A_236 {strides = array<i32>} : memref<8x4096xf32, #tpu.memory_space<vmem>>, vector<16xf32>,
          %parallel_loop3A_244 = arith.constant 0 : i32
          %parallel_loop3A_245 = vector.broadcast %parallel_loop3A_244 : i32 to vector<16xi32>
          %parallel_loop3A_246 = arith.cmpi slt, %add3A_57, %parallel_loop3A_245 : vector<16xi32>
          %parallel_loop3A_247 = arith.constant 16 : i32
          %parallel_loop3A_248 = vector.broadcast %parallel_loop3A_247 : i32 to vector<16xi32>
          %parallel_loop3A_249 = arith.addi %add3A_57, %parallel_loop3A_248 : vector<16xi32>
          %parallel_loop3A_250 = arith.select %parallel_loop3A_246, %parallel_loop3A_249, %add3A_57 : vector<16xi1>, vector<16xi32>
          %parallel_loop3A_251 = vector.shape_cast %parallel_loop3A_250 : vector<16xi32> to vector<16x1xi32>
          %parallel_loop3A_252 = vector.shape_cast %parallel_loop3A_251 : vector<16x1xi32> to vector<16xi32>
          %parallel_loop3A_253 = tpu.dynamic_gather %parallel_loop3A_174[%parallel_loop3A_252] in [0] : vector<16xi32>, vector<16xi32> -> vector<16xi32>
          %parallel_loop3A_254 = arith.constant 4 : i32
          %parallel_loop3A_255 = vector.broadcast %parallel_loop3A_254 : i32 to vector<16xi32>
          %parallel_loop3A_256 = arith.shli %parallel_loop3A_253, %parallel_loop3A_255 : vector<16xi32>
          %parallel_loop3A_257 = arith.ori %parallel_loop3A_256, %iota3A : vector<16xi32>
          %parallel_loop3A_258 = tpu.vector_load_idx %arg6[%parallel_loop3A_257] : memref<4096xf32, #tpu.memory_space<vmem>>[vector<16xi32>], vector<16xf32>,
          %parallel_loop3A_259 = arith.mulf %parallel_loop3A_258, %gather3A : vector<16xf32>
          %parallel_loop3A_260 = arith.constant 64 : i32
          %parallel_loop3A_261 = arith.muli %parallel_loop3A_165, %parallel_loop3A_260 : i32
          %parallel_loop3A_262 = arith.constant 48 : i32
          %parallel_loop3A_263 = arith.addi %parallel_loop3A_261, %parallel_loop3A_262 : i32
          %parallel_loop3A_264 = arith.index_cast %scan3A_154 : i32 to index
          %parallel_loop3A_265 = arith.index_cast %parallel_loop3A_263 : i32 to index
          %parallel_loop3A_266 = tpu.vector_load %arg11[%parallel_loop3A_264, %parallel_loop3A_265] {strides = array<i32>} : memref<8x4096xf32, #tpu.memory_space<vmem>>, vector<16xf32>,
          tpu.vector_store %arg11[%parallel_loop3A_264, %parallel_loop3A_265], %parallel_loop3A_259 {strides = array<i32>} : memref<8x4096xf32, #tpu.memory_space<vmem>>, vector<16xf32>,
        } {sc.loop_unroll_factor = 4 : i64, sc.parallel_access}
        %scan3A_164 = arith.constant 0 : i32
        scf.yield %scan3A_164 : i32
      }
      %scan3A_107 = arith.constant 8 : i32
      %lt3A_108 = arith.constant 7 : i32
      %lt3A_109 = arith.cmpi slt, %scan3A_88, %lt3A_108 : i32
      %convert_element_type3A_110 = arith.extui %lt3A_109 : i1 to i32
      %cond3A_111 = arith.constant 0 : i32
      %cond3A_112 = arith.cmpi ne, %convert_element_type3A_110, %cond3A_111 : i32
      scf.if %cond3A_112 {
        %add3A_154 = arith.constant 2 : i32
        %add3A_155 = arith.addi %add3A_93, %add3A_154 : i32
        %mul3A_156 = arith.constant 8192 : i32
        %mul3A_157 = arith.muli %add3A_155, %mul3A_156 : i32
        %add3A_158 = arith.addi %mul3A_34, %mul3A_157 : i32
        %dma_start3A_159 = tpu.memref_slice %arg2[%select_n3A, %add3A_158] : memref<2x2097152xi32, #tpu.memory_space<hbm>> -> memref<1x8192xi32, #tpu.memory_space<hbm>>
        %dma_start3A_160 = tpu.memref_slice %arg2[%select_n3A, %add3A_158] : memref<2x2097152xi32, #tpu.memory_space<hbm>> -> memref<1x8192xi32, #tpu.memory_space<hbm>>
        tpu.enqueue_dma source(%dma_start3A_160 : memref<1x8192xi32, #tpu.memory_space<hbm>>) target(%arg9 : memref<1x8192xi32, #tpu.memory_space<vmem>>) target_semaphore(%arg13 : memref<!tpu.dma_semaphore, #tpu.memory_space<semaphore_mem>>)
      } else {
      }
      %mul3A_113 = arith.constant 8 : i32
      %mul3A_114 = arith.muli %add3A_93, %mul3A_113 : i32
      %add3A_115 = arith.addi %mul3A_2, %mul3A_114 : i32
      %dma_start3A_116 = arith.constant 0 : i32
      %dma_start3A_117 = tpu.memref_slice %arg5[%add3A_115, %dma_start3A_116] : memref<4096x4096xf32, #tpu.memory_space<hbm>> -> memref<8x4096xf32, #tpu.memory_space<hbm>>
      %dma_start3A_118 = arith.constant 0 : i32
      %dma_start3A_119 = tpu.memref_slice %arg5[%add3A_115, %dma_start3A_118] : memref<4096x4096xf32, #tpu.memory_space<hbm>> -> memref<8x4096xf32, #tpu.memory_space<hbm>>
      tpu.enqueue_dma source(%arg11 : memref<8x4096xf32, #tpu.memory_space<vmem>>) target(%dma_start3A_119 : memref<8x4096xf32, #tpu.memory_space<hbm>>) target_semaphore(%arg15 : memref<!tpu.dma_semaphore, #tpu.memory_space<semaphore_mem>>)
      %mul3A_120 = arith.constant 2 : i32
      %mul3A_121 = arith.muli %scan3A_88, %mul3A_120 : i32
      %add3A_122 = arith.constant 1 : i32
      %add3A_123 = arith.addi %mul3A_121, %add3A_122 : i32
      %mul3A_124 = arith.constant 8192 : i32
      %mul3A_125 = arith.muli %add3A_123, %mul3A_124 : i32
      %add3A_126 = arith.addi %mul3A_34, %mul3A_125 : i32
      %dma_wait3A_127 = tpu.memref_slice %arg2[%select_n3A, %add3A_126] : memref<2x2097152xi32, #tpu.memory_space<hbm>> -> memref<1x8192xi32, #tpu.memory_space<hbm>>
      %dma_wait3A_128 = tpu.memref_slice %arg2[%select_n3A, %add3A_126] : memref<2x2097152xi32, #tpu.memory_space<hbm>> -> memref<1x8192xi32, #tpu.memory_space<hbm>>
      tpu.wait_dma2 semaphore(%arg14 : memref<!tpu.dma_semaphore, #tpu.memory_space<semaphore_mem>>) src(%dma_wait3A_128 : memref<1x8192xi32, #tpu.memory_space<hbm>>) dst(%arg10 : memref<1x8192xi32, #tpu.memory_space<vmem>>)
      %gt3A_129 = arith.constant 0 : i32
      %gt3A_130 = arith.cmpi sgt, %scan3A_88, %gt3A_129 : i32
      %convert_element_type3A_131 = arith.extui %gt3A_130 : i1 to i32
      %cond3A_132 = arith.constant 0 : i32
      %cond3A_133 = arith.cmpi ne, %convert_element_type3A_131, %cond3A_132 : i32
      scf.if %cond3A_133 {
        %mul3A_154 = arith.constant 8 : i32
        %mul3A_155 = arith.muli %add3A_123, %mul3A_154 : i32
        %add3A_156 = arith.addi %mul3A_2, %mul3A_155 : i32
        %dma_wait3A_157 = arith.constant 0 : i32
        %dma_wait3A_158 = tpu.memref_slice %arg5[%add3A_156, %dma_wait3A_157] : memref<4096x4096xf32, #tpu.memory_space<hbm>> -> memref<8x4096xf32, #tpu.memory_space<hbm>>
        %dma_wait3A_159 = arith.constant 0 : i32
        %dma_wait3A_160 = tpu.memref_slice %arg5[%add3A_156, %dma_wait3A_159] : memref<4096x4096xf32, #tpu.memory_space<hbm>> -> memref<8x4096xf32, #tpu.memory_space<hbm>>
        tpu.wait_dma2 semaphore(%arg16 : memref<!tpu.dma_semaphore, #tpu.memory_space<semaphore_mem>>) src(%arg12 : memref<8x4096xf32, #tpu.memory_space<vmem>>) dst(%dma_wait3A_160 : memref<8x4096xf32, #tpu.memory_space<hbm>>)
      } else {
      }
      %scan3A_134 = arith.constant 0 : i32
      %scan3A_135 = arith.constant 0 : i32
      %scan3A_136 = arith.constant 8 : i32
      %scan3A_137 = arith.addi %scan3A_135, %scan3A_136 : i32
      %scan3A_138 = arith.constant 1 : i32
      %scan3A_139 = scf.for %scan3A_154 = %scan3A_135 to %scan3A_137 step %scan3A_138 iter_args(%scan3A_155 = %scan3A_134) -> (i32)  : i32 {
        %mul3A_156 = arith.constant 8 : i32
        %mul3A_157 = arith.muli %add3A_123, %mul3A_156 : i32
        %add3A_158 = arith.addi %mul3A_157, %scan3A_154 : i32
        %add3A_159 = vector.broadcast %add3A_158 : i32 to vector<16xi32>
        %add3A_160 = arith.addi %broadcast_in_dim3A_58, %add3A_159 : vector<16xi32>
        %gather3A = tpu.vector_load_idx %arg8[%add3A_160] : memref<128xf32, #tpu.memory_space<vmem>>[vector<16xi32>], vector<16xf32>,
        %parallel_loop3A_161 = arith.constant 0 : i32
        %parallel_loop3A_162 = arith.constant 64 : i32
        %parallel_loop3A_163 = arith.constant 1 : i32
        scf.for %parallel_loop3A_165 = %parallel_loop3A_161 to %parallel_loop3A_162 step %parallel_loop3A_163  : i32 {
          %parallel_loop3A_166 = arith.constant 1024 : i32
          %parallel_loop3A_167 = arith.muli %scan3A_154, %parallel_loop3A_166 : i32
          %parallel_loop3A_168 = arith.constant 16 : i32
          %parallel_loop3A_169 = arith.muli %parallel_loop3A_165, %parallel_loop3A_168 : i32
          %parallel_loop3A_170 = arith.addi %parallel_loop3A_167, %parallel_loop3A_169 : i32
          %parallel_loop3A_171 = arith.constant 0 : i32
          %parallel_loop3A_172 = arith.index_cast %parallel_loop3A_171 : i32 to index
          %parallel_loop3A_173 = arith.index_cast %parallel_loop3A_170 : i32 to index
          %parallel_loop3A_174 = tpu.vector_load %arg10[%parallel_loop3A_172, %parallel_loop3A_173] {strides = array<i32>} : memref<1x8192xi32, #tpu.memory_space<vmem>>, vector<16xi32>,
          %parallel_loop3A_175 = arith.constant 0 : i32
          %parallel_loop3A_176 = vector.broadcast %parallel_loop3A_175 : i32 to vector<16xi32>
          %parallel_loop3A_177 = arith.cmpi slt, %add3A_39, %parallel_loop3A_176 : vector<16xi32>
          %parallel_loop3A_178 = arith.constant 16 : i32
          %parallel_loop3A_179 = vector.broadcast %parallel_loop3A_178 : i32 to vector<16xi32>
          %parallel_loop3A_180 = arith.addi %add3A_39, %parallel_loop3A_179 : vector<16xi32>
          %parallel_loop3A_181 = arith.select %parallel_loop3A_177, %parallel_loop3A_180, %add3A_39 : vector<16xi1>, vector<16xi32>
          %parallel_loop3A_182 = vector.shape_cast %parallel_loop3A_181 : vector<16xi32> to vector<16x1xi32>
          %parallel_loop3A_183 = vector.shape_cast %parallel_loop3A_182 : vector<16x1xi32> to vector<16xi32>
          %parallel_loop3A_184 = tpu.dynamic_gather %parallel_loop3A_174[%parallel_loop3A_183] in [0] : vector<16xi32>, vector<16xi32> -> vector<16xi32>
          %parallel_loop3A_185 = arith.constant 4 : i32
          %parallel_loop3A_186 = vector.broadcast %parallel_loop3A_185 : i32 to vector<16xi32>
          %parallel_loop3A_187 = arith.shli %parallel_loop3A_184, %parallel_loop3A_186 : vector<16xi32>
          %parallel_loop3A_188 = arith.ori %parallel_loop3A_187, %iota3A : vector<16xi32>
          %parallel_loop3A_189 = tpu.vector_load_idx %arg6[%parallel_loop3A_188] : memref<4096xf32, #tpu.memory_space<vmem>>[vector<16xi32>], vector<16xf32>,
          %parallel_loop3A_190 = arith.mulf %parallel_loop3A_189, %gather3A : vector<16xf32>
          %parallel_loop3A_191 = arith.constant 64 : i32
          %parallel_loop3A_192 = arith.muli %parallel_loop3A_165, %parallel_loop3A_191 : i32
          %parallel_loop3A_193 = arith.constant 0 : i32
          %parallel_loop3A_194 = arith.addi %parallel_loop3A_192, %parallel_loop3A_193 : i32
          %parallel_loop3A_195 = arith.index_cast %scan3A_154 : i32 to index
          %parallel_loop3A_196 = arith.index_cast %parallel_loop3A_194 : i32 to index
          %parallel_loop3A_197 = tpu.vector_load %arg12[%parallel_loop3A_195, %parallel_loop3A_196] {strides = array<i32>} : memref<8x4096xf32, #tpu.memory_space<vmem>>, vector<16xf32>,
          tpu.vector_store %arg12[%parallel_loop3A_195, %parallel_loop3A_196], %parallel_loop3A_190 {strides = array<i32>} : memref<8x4096xf32, #tpu.memory_space<vmem>>, vector<16xf32>,
          %parallel_loop3A_198 = arith.constant 0 : i32
          %parallel_loop3A_199 = vector.broadcast %parallel_loop3A_198 : i32 to vector<16xi32>
          %parallel_loop3A_200 = arith.cmpi slt, %add3A_45, %parallel_loop3A_199 : vector<16xi32>
          %parallel_loop3A_201 = arith.constant 16 : i32
          %parallel_loop3A_202 = vector.broadcast %parallel_loop3A_201 : i32 to vector<16xi32>
          %parallel_loop3A_203 = arith.addi %add3A_45, %parallel_loop3A_202 : vector<16xi32>
          %parallel_loop3A_204 = arith.select %parallel_loop3A_200, %parallel_loop3A_203, %add3A_45 : vector<16xi1>, vector<16xi32>
          %parallel_loop3A_205 = vector.shape_cast %parallel_loop3A_204 : vector<16xi32> to vector<16x1xi32>
          %parallel_loop3A_206 = vector.shape_cast %parallel_loop3A_205 : vector<16x1xi32> to vector<16xi32>
          %parallel_loop3A_207 = tpu.dynamic_gather %parallel_loop3A_174[%parallel_loop3A_206] in [0] : vector<16xi32>, vector<16xi32> -> vector<16xi32>
          %parallel_loop3A_208 = arith.constant 4 : i32
          %parallel_loop3A_209 = vector.broadcast %parallel_loop3A_208 : i32 to vector<16xi32>
          %parallel_loop3A_210 = arith.shli %parallel_loop3A_207, %parallel_loop3A_209 : vector<16xi32>
          %parallel_loop3A_211 = arith.ori %parallel_loop3A_210, %iota3A : vector<16xi32>
          %parallel_loop3A_212 = tpu.vector_load_idx %arg6[%parallel_loop3A_211] : memref<4096xf32, #tpu.memory_space<vmem>>[vector<16xi32>], vector<16xf32>,
          %parallel_loop3A_213 = arith.mulf %parallel_loop3A_212, %gather3A : vector<16xf32>
          %parallel_loop3A_214 = arith.constant 64 : i32
          %parallel_loop3A_215 = arith.muli %parallel_loop3A_165, %parallel_loop3A_214 : i32
          %parallel_loop3A_216 = arith.constant 16 : i32
          %parallel_loop3A_217 = arith.addi %parallel_loop3A_215, %parallel_loop3A_216 : i32
          %parallel_loop3A_218 = arith.index_cast %scan3A_154 : i32 to index
          %parallel_loop3A_219 = arith.index_cast %parallel_loop3A_217 : i32 to index
          %parallel_loop3A_220 = tpu.vector_load %arg12[%parallel_loop3A_218, %parallel_loop3A_219] {strides = array<i32>} : memref<8x4096xf32, #tpu.memory_space<vmem>>, vector<16xf32>,
          tpu.vector_store %arg12[%parallel_loop3A_218, %parallel_loop3A_219], %parallel_loop3A_213 {strides = array<i32>} : memref<8x4096xf32, #tpu.memory_space<vmem>>, vector<16xf32>,
          %parallel_loop3A_221 = arith.constant 0 : i32
          %parallel_loop3A_222 = vector.broadcast %parallel_loop3A_221 : i32 to vector<16xi32>
          %parallel_loop3A_223 = arith.cmpi slt, %add3A_51, %parallel_loop3A_222 : vector<16xi32>
          %parallel_loop3A_224 = arith.constant 16 : i32
          %parallel_loop3A_225 = vector.broadcast %parallel_loop3A_224 : i32 to vector<16xi32>
          %parallel_loop3A_226 = arith.addi %add3A_51, %parallel_loop3A_225 : vector<16xi32>
          %parallel_loop3A_227 = arith.select %parallel_loop3A_223, %parallel_loop3A_226, %add3A_51 : vector<16xi1>, vector<16xi32>
          %parallel_loop3A_228 = vector.shape_cast %parallel_loop3A_227 : vector<16xi32> to vector<16x1xi32>
          %parallel_loop3A_229 = vector.shape_cast %parallel_loop3A_228 : vector<16x1xi32> to vector<16xi32>
          %parallel_loop3A_230 = tpu.dynamic_gather %parallel_loop3A_174[%parallel_loop3A_229] in [0] : vector<16xi32>, vector<16xi32> -> vector<16xi32>
          %parallel_loop3A_231 = arith.constant 4 : i32
          %parallel_loop3A_232 = vector.broadcast %parallel_loop3A_231 : i32 to vector<16xi32>
          %parallel_loop3A_233 = arith.shli %parallel_loop3A_230, %parallel_loop3A_232 : vector<16xi32>
          %parallel_loop3A_234 = arith.ori %parallel_loop3A_233, %iota3A : vector<16xi32>
          %parallel_loop3A_235 = tpu.vector_load_idx %arg6[%parallel_loop3A_234] : memref<4096xf32, #tpu.memory_space<vmem>>[vector<16xi32>], vector<16xf32>,
          %parallel_loop3A_236 = arith.mulf %parallel_loop3A_235, %gather3A : vector<16xf32>
          %parallel_loop3A_237 = arith.constant 64 : i32
          %parallel_loop3A_238 = arith.muli %parallel_loop3A_165, %parallel_loop3A_237 : i32
          %parallel_loop3A_239 = arith.constant 32 : i32
          %parallel_loop3A_240 = arith.addi %parallel_loop3A_238, %parallel_loop3A_239 : i32
          %parallel_loop3A_241 = arith.index_cast %scan3A_154 : i32 to index
          %parallel_loop3A_242 = arith.index_cast %parallel_loop3A_240 : i32 to index
          %parallel_loop3A_243 = tpu.vector_load %arg12[%parallel_loop3A_241, %parallel_loop3A_242] {strides = array<i32>} : memref<8x4096xf32, #tpu.memory_space<vmem>>, vector<16xf32>,
          tpu.vector_store %arg12[%parallel_loop3A_241, %parallel_loop3A_242], %parallel_loop3A_236 {strides = array<i32>} : memref<8x4096xf32, #tpu.memory_space<vmem>>, vector<16xf32>,
          %parallel_loop3A_244 = arith.constant 0 : i32
          %parallel_loop3A_245 = vector.broadcast %parallel_loop3A_244 : i32 to vector<16xi32>
          %parallel_loop3A_246 = arith.cmpi slt, %add3A_57, %parallel_loop3A_245 : vector<16xi32>
          %parallel_loop3A_247 = arith.constant 16 : i32
          %parallel_loop3A_248 = vector.broadcast %parallel_loop3A_247 : i32 to vector<16xi32>
          %parallel_loop3A_249 = arith.addi %add3A_57, %parallel_loop3A_248 : vector<16xi32>
          %parallel_loop3A_250 = arith.select %parallel_loop3A_246, %parallel_loop3A_249, %add3A_57 : vector<16xi1>, vector<16xi32>
          %parallel_loop3A_251 = vector.shape_cast %parallel_loop3A_250 : vector<16xi32> to vector<16x1xi32>
          %parallel_loop3A_252 = vector.shape_cast %parallel_loop3A_251 : vector<16x1xi32> to vector<16xi32>
          %parallel_loop3A_253 = tpu.dynamic_gather %parallel_loop3A_174[%parallel_loop3A_252] in [0] : vector<16xi32>, vector<16xi32> -> vector<16xi32>
          %parallel_loop3A_254 = arith.constant 4 : i32
          %parallel_loop3A_255 = vector.broadcast %parallel_loop3A_254 : i32 to vector<16xi32>
          %parallel_loop3A_256 = arith.shli %parallel_loop3A_253, %parallel_loop3A_255 : vector<16xi32>
          %parallel_loop3A_257 = arith.ori %parallel_loop3A_256, %iota3A : vector<16xi32>
          %parallel_loop3A_258 = tpu.vector_load_idx %arg6[%parallel_loop3A_257] : memref<4096xf32, #tpu.memory_space<vmem>>[vector<16xi32>], vector<16xf32>,
          %parallel_loop3A_259 = arith.mulf %parallel_loop3A_258, %gather3A : vector<16xf32>
          %parallel_loop3A_260 = arith.constant 64 : i32
          %parallel_loop3A_261 = arith.muli %parallel_loop3A_165, %parallel_loop3A_260 : i32
          %parallel_loop3A_262 = arith.constant 48 : i32
          %parallel_loop3A_263 = arith.addi %parallel_loop3A_261, %parallel_loop3A_262 : i32
          %parallel_loop3A_264 = arith.index_cast %scan3A_154 : i32 to index
          %parallel_loop3A_265 = arith.index_cast %parallel_loop3A_263 : i32 to index
          %parallel_loop3A_266 = tpu.vector_load %arg12[%parallel_loop3A_264, %parallel_loop3A_265] {strides = array<i32>} : memref<8x4096xf32, #tpu.memory_space<vmem>>, vector<16xf32>,
          tpu.vector_store %arg12[%parallel_loop3A_264, %parallel_loop3A_265], %parallel_loop3A_259 {strides = array<i32>} : memref<8x4096xf32, #tpu.memory_space<vmem>>, vector<16xf32>,
        } {sc.loop_unroll_factor = 4 : i64, sc.parallel_access}
        %scan3A_164 = arith.constant 0 : i32
        scf.yield %scan3A_164 : i32
      }
      %scan3A_140 = arith.constant 8 : i32
      %lt3A_141 = arith.constant 7 : i32
      %lt3A_142 = arith.cmpi slt, %scan3A_88, %lt3A_141 : i32
      %convert_element_type3A_143 = arith.extui %lt3A_142 : i1 to i32
      %cond3A_144 = arith.constant 0 : i32
      %cond3A_145 = arith.cmpi ne, %convert_element_type3A_143, %cond3A_144 : i32
      scf.if %cond3A_145 {
        %add3A_154 = arith.constant 2 : i32
        %add3A_155 = arith.addi %add3A_123, %add3A_154 : i32
        %mul3A_156 = arith.constant 8192 : i32
        %mul3A_157 = arith.muli %add3A_155, %mul3A_156 : i32
        %add3A_158 = arith.addi %mul3A_34, %mul3A_157 : i32
        %dma_start3A_159 = tpu.memref_slice %arg2[%select_n3A, %add3A_158] : memref<2x2097152xi32, #tpu.memory_space<hbm>> -> memref<1x8192xi32, #tpu.memory_space<hbm>>
        %dma_start3A_160 = tpu.memref_slice %arg2[%select_n3A, %add3A_158] : memref<2x2097152xi32, #tpu.memory_space<hbm>> -> memref<1x8192xi32, #tpu.memory_space<hbm>>
        tpu.enqueue_dma source(%dma_start3A_160 : memref<1x8192xi32, #tpu.memory_space<hbm>>) target(%arg10 : memref<1x8192xi32, #tpu.memory_space<vmem>>) target_semaphore(%arg14 : memref<!tpu.dma_semaphore, #tpu.memory_space<semaphore_mem>>)
      } else {
      }
      %mul3A_146 = arith.constant 8 : i32
      %mul3A_147 = arith.muli %add3A_123, %mul3A_146 : i32
      %add3A_148 = arith.addi %mul3A_2, %mul3A_147 : i32
      %dma_start3A_149 = arith.constant 0 : i32
      %dma_start3A_150 = tpu.memref_slice %arg5[%add3A_148, %dma_start3A_149] : memref<4096x4096xf32, #tpu.memory_space<hbm>> -> memref<8x4096xf32, #tpu.memory_space<hbm>>
      %dma_start3A_151 = arith.constant 0 : i32
      %dma_start3A_152 = tpu.memref_slice %arg5[%add3A_148, %dma_start3A_151] : memref<4096x4096xf32, #tpu.memory_space<hbm>> -> memref<8x4096xf32, #tpu.memory_space<hbm>>
      tpu.enqueue_dma source(%arg12 : memref<8x4096xf32, #tpu.memory_space<vmem>>) target(%dma_start3A_152 : memref<8x4096xf32, #tpu.memory_space<hbm>>) target_semaphore(%arg16 : memref<!tpu.dma_semaphore, #tpu.memory_space<semaphore_mem>>)
      %scan3A_153 = arith.constant 0 : i32
      scf.yield %scan3A_153 : i32
    }
    %scan3A_76 = arith.constant 8 : i32
    %add3A_77 = arith.constant 112 : i32
    %add3A_78 = arith.addi %mul3A_2, %add3A_77 : i32
    %dma_wait3A = arith.constant 0 : i32
    %dma_wait3A_79 = tpu.memref_slice %arg5[%add3A_78, %dma_wait3A] : memref<4096x4096xf32, #tpu.memory_space<hbm>> -> memref<8x4096xf32, #tpu.memory_space<hbm>>
    %dma_wait3A_80 = arith.constant 0 : i32
    %dma_wait3A_81 = tpu.memref_slice %arg5[%add3A_78, %dma_wait3A_80] : memref<4096x4096xf32, #tpu.memory_space<hbm>> -> memref<8x4096xf32, #tpu.memory_space<hbm>>
    tpu.wait_dma2 semaphore(%arg15 : memref<!tpu.dma_semaphore, #tpu.memory_space<semaphore_mem>>) src(%arg11 : memref<8x4096xf32, #tpu.memory_space<vmem>>) dst(%dma_wait3A_81 : memref<8x4096xf32, #tpu.memory_space<hbm>>)
    %add3A_82 = arith.constant 120 : i32
    %add3A_83 = arith.addi %mul3A_2, %add3A_82 : i32
    %dma_wait3A_84 = arith.constant 0 : i32
    %dma_wait3A_85 = tpu.memref_slice %arg5[%add3A_83, %dma_wait3A_84] : memref<4096x4096xf32, #tpu.memory_space<hbm>> -> memref<8x4096xf32, #tpu.memory_space<hbm>>
    %dma_wait3A_86 = arith.constant 0 : i32
    %dma_wait3A_87 = tpu.memref_slice %arg5[%add3A_83, %dma_wait3A_86] : memref<4096x4096xf32, #tpu.memory_space<hbm>> -> memref<8x4096xf32, #tpu.memory_space<hbm>>
    tpu.wait_dma2 semaphore(%arg16 : memref<!tpu.dma_semaphore, #tpu.memory_space<semaphore_mem>>) src(%arg12 : memref<8x4096xf32, #tpu.memory_space<vmem>>) dst(%dma_wait3A_87 : memref<8x4096xf32, #tpu.memory_space<hbm>>)
    return
  }
}

</mosaic_0001>

<sc_bundles>
// kernel: _dequant.3.cloned.1.call-start
scs
__scs_entry_jumppad:
0x0: {  	(pc) =	sbr.rel $0x88, $3  }
0x1: {  	(tag) =	ssettag $0x0;
	lr =	simm.s32 $0x1  }
0x2: {  	[smem:$0x3F9E] =	sst lr;
	_ =	strace $0xD0000000  }
0x3: {  	_ = 	snop  }
0x4: {  	_ = 	snop  }
0x5: {  	_ = 	snop  }
0x6: {  	_ = 	snop  }
0x7: {  	_ = 	snop  }
__scs_overlays_trampoline_lowered:
0x8: {  	[smem:$0x3FAD] =	sst s0  }
0x9: {  	[smem:$0x3FAE] =	sst s1  }
0xa: {  	[smem:$0x3FAF] =	sst s2  }
0xb: {  	[smem:$0x3FB0] =	sst s3  }
0xc: {  	[smem:$0x3FB1] =	sst s4  }
0xd: {  	[smem:$0x3FB2] =	sst s5  }
0xe: {  	[smem:$0x3FB3] =	sst s6  }
0xf: {  	[smem:$0x3FB4] =	sst s7  }
0x10: {  	[smem:$0x3FB5] =	sst s8  }
0x11: {  	[smem:$0x3FB6] =	sst s9;
	s0 =	simm.s32 @!p0 $0x0  }
0x12: {  	s1 =	sld [smem:$0x3F9C];
	s0 =	simm.s32 @p0 $0x1  }
0x13: {  	[smem:$0x3FB7] =	sst s0;
	s0 =	simm.s32 @!p1 $0x0  }
0x14: {  	s2 =	sld [smem:$0x3F9B];
	s0 =	simm.s32 @p1 $0x1  }
0x15: {  	[smem:$0x3FB8] =	sst s0;
	s0 =	simm.s32 @!p2 $0x0  }
0x16: {  	s3 =	sld [smem:$0x3FDB];
	s0 =	simm.s32 @p2 $0x1  }
0x17: {  	s4 =	simm.s32 $0x1BF5;
	[smem:$0x3FBA] =	sst s0  }
0x18: {  	s0 =	sld [smem:$0x3F9D];
	_ =	swait.ge [sflag:s4], $0x0  }
0x19: {  	s7 =	sld [smem:$0x3F9E]  }
0x1a: {  	s8 =	sadd.s32 $0xFFFFE003, lr  }
0x1b: {  	s9 =	sadd.s32 $0xFFFFFEF7, lr;
	s5 =	simm.s32 $0xFFFFFFFF;
	p2 =	slt.u32 s8, $0xFFFFF086  }
0x1c: {  	p1 =	slt.u32 s9, $0xF7A;
	s5 =	simm.s32 @!p2 $0x0  }
0x1d: {  	s5 =	simm.s32 @p1 $0x1;
	p0 =	seq.s32 s7, s2  }
0x1e: {  	s7 =	smul.u32 @!p0 $0xF7A, s2;
	p2 =	seq.s32 @!p0 s5, $0x0  }
0x1f: {  	s9 =	smul.u32 $0xF7A, s1;
	s8 =	simm.s32 @!p0 $0x1BF5;
	p2 =	por !p2, p0  }
0x20: {  	[sflag:s8] =	ssyncset.s32 @!p0 $0xFFFFF086;
	s6 =	sadd.s32 @!p0 s3, s7;
	s7 =	simm.s32 @!p0 $0x108  }
0x21: {  	s3 =	sadd.s32 s3, s9;
	s6 =	sadd.s32 @!p0 $0x88, s6;
	s7 =	simm.s32 @p2 $0x1082  }
0x22: {  	[simem:s7], [sflag:s8] =	dma.local @!p0 [hbm:s6], $0xF7A  }
0x23: {  	s9 =	sor.u32 $0xD0000000, s2;
	s6 =	simm.s32 $0x108;
	_ =	swait.ge @!p0 [sflag:s8], $0x0  }
0x24: {  	s3 =	sadd.s32 $0x88, s3;
	s6 =	simm.s32 @!p1 $0x1082;
	[sflag:s4] =	ssyncset.s32 $0xFFFFF086  }
0x25: {  	[simem:s6], [sflag:s4] =	dma.local [hbm:s3], $0xF7A  }
0x26: {  	[smem:$0x3F9E] =	sst s1;
	(tag) =	ssettag s2;
	_ =	strace s9  }
0x27: {  	s1 =	sld [smem:$0x3FAE]  }
0x28: {  	s2 =	sld [smem:$0x3FAF]  }
0x29: {  	s4 =	sld [smem:$0x3FB1]  }
0x2a: {  	p0 =	seq.s32 s5, $0x0;
	s5 =	sld [smem:$0x3FB2]  }
0x2b: {  	s6 =	sld [smem:$0x3FB3]  }
0x2c: {  	s7 =	sld [smem:$0x3FB4]  }
0x2d: {  	s3 =	simm.s32 $0x108;
	s8 =	sld [smem:$0x3FB5]  }
0x2e: {  	s3 =	simm.s32 @!p0 $0x1082;
	s9 =	sld [smem:$0x3FB6]  }
0x2f: {  	lr =	sadd.s32 s0, s3;
	s0 =	sld [smem:$0x3FAD]  }
0x30: {  	s3 =	sld [smem:$0x3FB0]  }
0x31: {  	[smem:$0x3FB9] =	sst s10  }
0x32: {  	s10 =	sld [smem:$0x3FB7];
	_ =	sdelay $0x3  }
0x33: {  	p0 =	seq.s32 s10, $0x1;
	s10 =	sld [smem:$0x3FB9];
	_ =	sdelay $0x3  }
0x34: {  	[smem:$0x3FB9] =	sst s10  }
0x35: {  	s10 =	sld [smem:$0x3FB8];
	_ =	sdelay $0x3  }
0x36: {  	p1 =	seq.s32 s10, $0x1;
	s10 =	sld [smem:$0x3FB9];
	_ =	sdelay $0x3  }
0x37: {  	[smem:$0x3FB9] =	sst s10  }
0x38: {  	s10 =	sld [smem:$0x3FBA]  }
0x39: {  	_ = 	snop;
	(pc) =	sbr.ind lr, $3  }
0x3a: {  	_ = 	snop  }
0x3b: {  	_ = 	snop  }
0x3c: {  	p2 =	seq.s32 s10, $0x1;
	s10 =	sld [smem:$0x3FB9]  }
0x3d: {  	_ =	shalt  }
0x3e: {  	_ =	shalt  }
0x3f: {  	_ =	shalt  }
0x40: {  	_ =	shalt  }
0x41: {  	_ =	shalt  }
0x42: {  	_ =	shalt  }
0x43: {  	_ =	shalt  }
0x44: {  	_ =	shalt  }
0x45: {  	_ =	shalt  }
0x46: {  	_ =	shalt  }
0x47: {  	_ =	shalt  }
0x48: {  	_ =	shalt  }
0x49: {  	_ =	shalt  }
0x4a: {  	_ =	shalt  }
0x4b: {  	_ =	shalt  }
0x4c: {  	_ =	shalt  }
0x4d: {  	_ =	shalt  }
0x4e: {  	_ =	shalt  }
0x4f: {  	_ =	shalt  }
0x50: {  	_ =	shalt  }
0x51: {  	_ =	shalt  }
0x52: {  	_ =	shalt  }
0x53: {  	_ =	shalt  }
0x54: {  	_ =	shalt  }
0x55: {  	_ =	shalt  }
0x56: {  	_ =	shalt  }
0x57: {  	_ =	shalt  }
0x58: {  	_ =	shalt  }
0x59: {  	_ =	shalt  }
0x5a: {  	_ =	shalt  }
0x5b: {  	_ =	shalt  }
0x5c: {  	_ =	shalt  }
0x5d: {  	_ =	shalt  }
0x5e: {  	_ =	shalt  }
0x5f: {  	_ =	shalt  }
0x60: {  	_ =	shalt  }
0x61: {  	_ =	shalt  }
0x62: {  	_ =	shalt  }
0x63: {  	_ =	shalt  }
0x64: {  	_ =	shalt  }
0x65: {  	_ =	shalt  }
0x66: {  	_ =	shalt  }
0x67: {  	_ =	shalt  }
0x68: {  	_ =	shalt  }
0x69: {  	_ =	shalt  }
0x6a: {  	_ =	shalt  }
0x6b: {  	_ =	shalt  }
0x6c: {  	_ =	shalt  }
0x6d: {  	_ =	shalt  }
0x6e: {  	_ =	shalt  }
0x6f: {  	_ =	shalt  }
0x70: {  	_ =	shalt  }
0x71: {  	_ =	shalt  }
0x72: {  	_ =	shalt  }
0x73: {  	_ =	shalt  }
0x74: {  	_ =	shalt  }
0x75: {  	_ =	shalt  }
0x76: {  	_ =	shalt  }
0x77: {  	_ =	shalt  }
0x78: {  	_ =	shalt  }
0x79: {  	_ =	shalt  }
0x7a: {  	_ =	shalt  }
0x7b: {  	_ =	shalt  }
0x7c: {  	_ =	shalt  }
0x7d: {  	_ =	shalt  }
0x7e: {  	_ =	shalt  }
0x7f: {  	_ =	shalt  }
0x80: {  	_ =	shalt  }
0x81: {  	_ =	shalt  }
0x82: {  	_ =	shalt  }
0x83: {  	_ =	shalt  }
0x84: {  	_ =	shalt  }
0x85: {  	_ =	shalt  }
0x86: {  	_ =	shalt  }
0x87: {  	_ =	shalt  }
.Lfunc_end0:
.L_simem_size_0:
called_computation_lowered:
.L_overlay_start_0:
0x88: {  	s2 =	sld [smem:$0x3FD9]  }
0x89: {  	s3 =	sld [smem:$0x3FFE];
	_ =	sdelay $0x1  }
0x8a: {  	s1 =	srdreg.scid  }
0x8b: {  	s0 =	sand.u32 $0x1, s1  }
0x8c: {  	s18 =	sshll.u32 s0, $0xA;
	s2 =	sadd.s32 s3, s2  }
0x8d: {  	s2 =	sadd.s32 s2, s18  }
0x8e: {  	[smem:$0x3FC5] =	sst s2  }
0x8f: {  	_ = 	snop  }
0x90: {  	s2 =	sld [smem:$0x3FC9]  }
0x91: {  	s19 =	sld [smem:$0x3FC8]  }
0x92: {  	s4 =	sld [smem:$0x3FC7]  }
0x93: {  	s5 =	sld [smem:$0x3FD0];
	(tm) =	ssettm $0x1  }
0x94: {  	s6 =	sld [smem:$0x3FFB];
	_ =	sdelay $0x3  }
0x95: {  	_ =	strace s6  }
0x96: {  	s6 =	sld [smem:$0x3FFC];
	_ =	sdelay $0x3  }
0x97: {  	_ =	strace s6  }
0x98: {  	s6 =	sld [smem:$0x3FFD];
	_ =	sdelay $0x3  }
0x99: {  	_ =	strace s6  }
0x9a: {  	_ =	strace $0x8FFFFFFF  }
0x9b: {  	s20 =	sld [smem:$0x3FDB];
	_ =	sdelay $0x1  }
0x9c: {  	s7 =	simm.s32 $_scs_section_size  }
0x9d: {  	s8 =	simm.s32 $_size__tile_overlayer_lowered;
	s9 =	simm.s32 $_tile_overlayer_lowered  }
0x9e: {  	s23 =	simm.s32 $0x1BFF;
	s22 =	sshll.u32 s9, $0x1;
	s6 =	sadd.s32 s7, s20  }
0x9f: {  	s10 =	simm.s32 $0x0;
	s21 =	sshll.u32 s8, $0x1;
	s8 =	sadd.s32 s22, s6  }
0xa0: {  	[timem:s10], [sflag:s23] =	dma.local [hbm:s8], s21  }
0xa1: {  	_ =	swait.ge [sflag:s23], s21  }
0xa2: {  	s7 =	ssub.s32 $0x0, s21;
	[sflag:s23] =	ssyncset.done $0x0  }
0xa3: {  	[sflag:s23] =	ssyncadd.s32 s7;
	_ =	sdelay $0x1  }
0xa4: {  	s24 =	simm.s32 $0x1B8B  }
0xa5: {  	_ =	swait.ge [sflag:s24], $0x1  }
0xa6: {  	[sflag:s24] =	ssyncset.done $0x0  }
0xa7: {  	s25 =	simm.s32 $0x1B8E;
	[sflag:s24] =	ssyncadd.s32 $0xFFFFFFFF  }
0xa8: {  	s26 =	simm.s32 $execute0_lowered;
	[smem:$0x3FD2] =	sst s25  }
0xa9: {  	s7 =	sshll.u32 s26, $0x1;
	_ =	strace $0x80000046;
	[dreg:$0x1] =	wrdreg $0xFFFFFFFF  }
0xaa: {  	s28 =	simm.s32 $_size_execute0_lowered;
	s6 =	sadd.s32 s6, s7;
	[dreg:$0x0] =	wrdreg $0x0  }
0xab: {  	s7 =	sshll.u32 s28, $0x1;
	[dreg:$0x2] =	wrdreg s6  }
0xac: {  	[dreg:$0x3] =	wrdreg s7  }
0xad: {  	[dreg:$0x4] =	wrdreg $0xC0  }
0xae: {  	_ =	task [dreg:s10], $0x5FFFF  }
0xaf: {  	[dreg:$0x1] =	wrdreg $0xFFFFFFFF  }
0xb0: {  	[dreg:$0x0] =	wrdreg $0x60  }
0xb1: {  	[dreg:$0x2] =	wrdreg s2  }
0xb2: {  	[dreg:$0x3] =	wrdreg s19  }
0xb3: {  	[dreg:$0x4] =	wrdreg s4  }
0xb4: {  	[dreg:$0x5] =	wrdreg s5  }
0xb5: {  	[dreg:$0x6] =	wrdreg $0x9  }
0xb6: {  	_ =	task.clear_ibuf [dreg:s10], $0x7FFFF;
	_ =	strace $0x90000046  }
0xb7: {  	s29 =	simm.s32 $0x9;
	_ =	strace $0x80000048  }
0xb8: {  	_ =	swait.ge [sflag:s29], $0x1  }
0xb9: {  	[sflag:s29] =	ssyncadd.s32 $0xFFFFFFFF  }
0xba: {  	_ =	strace $0x90000048  }
0xbb: {  	_ =	sfence  }
0xbc: {  	s30 =	sld [smem:$0x0];
	_ =	sdelay $0x2  }
0xbd: {  	s31 =	sshll.u32 s1, $0xD;
	s1 =	sshrl.u32 s1, $0x2  }
0xbe: {  	s3 =	sand.u32 $0x4000, s31;
	s1 =	sadd.s32 s1, s30  }
0xbf: {  	s0 =	sor.u32 s3, s0;
	s1 =	sshll.u32 s1, $0x11  }
0xc0: {  	s0 =	sor.u32 s1, s0  }
0xc1: {  	s0 =	sadd.s32 $0x8F2B, s0  }
0xc2: {  	[sflag:s0] =	ssyncadd.remote.s32 $0x1  }
0xc3: {  	_ =	sfence.sel $0xFFFF  }
0xc4: {  	[dreg:$0x0] =	wrdreg $0xFFFFFFFF;
	(pc) =	sbr.abs _section_cstart, $3  }
0xc5: {  	[dreg:$0x1] =	wrdreg $0xFFFFFFFF  }
0xc6: {  	_ =	task.clear_ibuf [dreg:s10], $0x2FFFF;
	_ =	strace $0x9FFFFFFF  }
0xc7: {  	(tm) =	ssettm $0x7FFFFFFF  }
tec
execute0_lowered:
.L_overlay_start_1:
0x0: {  	(tag) =	ssettag $0x1  }
0x1: {  	s1 =	rddreg [dreg:$0x0]  }
0x2: {  	s0 =	srdreg.scid;
	s2 =	rddreg [dreg:$0x1]  }
0x3: {  	s4 =	stileid.u32;
	s5 =	rddreg [dreg:$0x2]  }
0x4: {  	s7 =	rddreg [dreg:$0x3];
	s17 =	simm.s32 $0x1000;
	s19 =	simm.s32 $0x1400  }
0x5: {  	s20 =	simm.s32 $0x1;
	s21 =	simm.s32 $0x5480;
	s22 =	simm.s32 $0x2  }
0x6: {  	s23 =	simm.s32 $0xD480;
	s0 =	sand.u32 $0x1, s0;
	s3 =	sshll.u32 s4, $0x1  }
0x7: {  	s4 =	sshll.u32 s4, $0x4;
	s6 =	sor.u32 s0, s3;
	s0 =	ssub.s32 $0x2, s0  }
0x8: {  	s3 =	sshll.u32 s6, $0x12;
	s10 =	sshrl.u32 s0, $0x1;
	s29 =	sshll.u32 s6, $0x4  }
0x9: {  	s31 =	sshll.u32 s6, $0x10;
	s8 =	sand.u32 $0x3C0000, s3;
	s3 =	sand.u32 $0x80, s4  }
0xa: {  	s4 =	simm.s32 $0x0;
	s0 =	ssub.s32 s0, s10;
	s30 =	sadd.s32 s5, s29  }
0xb: {  	s9 =	sor.u32 s3, s8;
	[smem:$0x7FF] =	sst s4;
	s28 =	sshrl.u32 s3, $0x3  }
0xc: {  	s0 =	smax.u32 s0, $0x1;
	_ =	strace $0x80000047;
	[dreg:$0x8] =	wrdreg s30  }
0xd: {  	s9 =	sshrl.u32 s9, $0x3;
	s2 =	sadd.s32 s2, s28;
	[dreg:$0x9] =	wrdreg s0  }
0xe: {  	v0 =	vlaneseq.u32;
	s5 =	simm.s32 $0x0;
	s9 =	sadd.s32 s1, s9;
	[dreg:$0x7] =	wrdreg s2  }
0xf: {  	v1 =	vand.u32 $0x3, v0;
	v2 =	vshrl.u32 v0, $0x2;
	s10 =	sor.u32 $0xC000, s8;
	[dreg:$0x5] =	wrdreg s9;
	s9 =	sadd.s32 $0x800, s9  }
0x10: {  	v3 =	vor.u32 $0x4, v2;
	v4 =	vor.u32 $0x8, v2;
	v5 =	vor.u32 $0xC, v2;
	s12 =	sor.u32 $0x8000, s8;
	[dreg:$0x6] =	wrdreg s9;
	s9 =	sadd.s32 s7, s31  }
.LBB2_1:
0x11: {  	[dreg:$0xa] =	wrdreg s5  }
0x12: {  	s0 =	rddreg [dreg:$0x5]  }
0x13: {  	s2 =	simm.s32 $0x80;
	s13 =	simm.s32 $0x100;
	s6 =	simm.s32 $0x1480  }
0x14: {  	[tilespmem:s6], [sflag:$0x1] =	stream.strided.gather [hbm4b:s0+s2], $0x2000, s13, s2, $0x38;
	[tilespmem:$0x15480] =	vst v63  }
0x15: {  	s14 =	rddreg [dreg:$0x6];
	s15 =	simm.s32 $0x3480  }
0x16: {  	[tilespmem:s15], [sflag:$0x2] =	stream.strided.gather [hbm4b:s14+s2], $0x2000, s13, s2, $0x38;
	[tilespmem:$0x15480] =	vst v63  }
0x17: {  	s16 =	rddreg [dreg:$0x7];
	s18 =	simm.s32 $0x5  }
0x18: {  	[tilespmem:s17], [sflag:$0x5] =	stream.strided.gather [hbm4b:s16+s2], $0x400, s13, s2, $0x38;
	[tilespmem:$0x15480] =	vst v63  }
0x19: {  	_ =	swait.ge [sflag:s18], $0x400  }
0x1a: {  	[sflag:s18] =	ssyncset.done $0x0  }
0x1b: {  	v6 =	vor.u32 s4, v1;
	s25 =	simm.s32 $0xC;
	s24 =	rddreg [dreg:$0x8];
	[sflag:s18] =	ssyncadd.s32 $0xFFFFFC00  }
0x1c: {  	[tilespmem:s19], [sflag:$0x5] =	stream.linear.gather [hbm4b:s24+s4], $0x80, $0x38;
	[tilespmem:$0x15480] =	vst v63  }
0x1d: {  	s26 =	simm.s32 $0x8;
	v7 =	vor.u32 s25, v1;
	_ =	swait.ge [sflag:s18], $0x80  }
0x1e: {  	s28 =	simm.s32 $0x4;
	v8 =	vor.u32 s26, v1;
	[sflag:s18] =	ssyncset.done $0x0  }
0x1f: {  	s29 =	simm.s32 $0x10;
	v9 =	vor.u32 s28, v1;
	[sflag:s18] =	ssyncadd.s32 $0xFFFFFF80  }
0x20: {  	v10 =	vor.u32 s29, v1;
	v13 =	vld.idx.msk [tilespmem:v6+s17+$0x0], $0xffff  }
0x21: {  	s7 =	simm.s32 $0x1C  }
0x22: {  	v12 =	vor.u32 s7, v1;
	v7 =	vld.idx.msk [tilespmem:v7+s17+$0x0], $0xffff  }
0x23: {  	s31 =	simm.s32 $0x18;
	v6 =	vld.idx.msk [tilespmem:v8+s17+$0x0], $0xffff  }
0x24: {  	s30 =	simm.s32 $0x14;
	v11 =	vor.u32 s31, v1;
	s2 =	simm.s32 $0x20;
	v9 =	vld.idx.msk [tilespmem:v9+s17+$0x0], $0xffff  }
0x25: {  	s5 =	simm.s32 $0x20;
	s6 =	simm.s32 $0x8;
	s0 =	simm.s32 $0x60;
	v8 =	vor.u32 s30, v1;
	v10 =	vld.idx.msk [tilespmem:v10+s17+$0x0], $0xffff;
	[tilespmem:s2+$0xFFFFFFE0] =	vst v13  }
.LBB2_2:
0x26: {  	s7 =	sadd.s32 $0x4, s5;
	s6 =	sadd.s32 $0x4, s6  }
0x27: {  	v13 =	vor.u32 s5, v1;
	s8 =	sadd.s32 $0x8, s5;
	s11 =	sadd.s32 $0xC, s5;
	[tilespmem:s2+$0x10] =	vst v7;
	v7 =	vld.idx.msk [tilespmem:v12+s17+$0x0], $0xffff;
	p0 =	slt.u32 s6, $0xFC  }
.Ltmp0:
0x28: {  	v14 =	vor.u32 s7, v1;
	v15 =	vor.u32 s8, v1;
	v12 =	vor.u32 s11, v1;
	(pc) =	sbr.rel @p0 .LBB2_2-.Ltmp0, $3  }
0x29: {  	[tilespmem:s2+$0x0] =	vst v6;
	v6 =	vld.idx.msk [tilespmem:v11+s17+$0x0], $0xffff;
	v11 =	vmov v15  }
0x2a: {  	[tilespmem:s2+$0xFFFFFFF0] =	vst v9;
	v9 =	vld.idx.msk [tilespmem:v8+s17+$0x0], $0xffff;
	v8 =	vmov v14;
	s2 =	smov.u32 s0;
	_ =	sdelay $0x1  }
0x2b: {  	s5 =	sadd.s32 $0x10, s5;
	s0 =	sadd.s32 $0x40, s0;
	[tilespmem:s2+$0xFFFFFFE0] =	vst v10;
	v10 =	vld.idx.msk [tilespmem:v13+s17+$0x0], $0xffff  }
0x2c: {  	_ =	sdelay $0x1  }
0x2d: {  	v13 =	vor.u32 s5, v1;
	s6 =	sadd.s32 $0xC, s5  }
0x2e: {  	s7 =	sadd.s32 $0x8, s5;
	v14 =	vor.u32 s6, v1  }
0x2f: {  	s30 =	sadd.s32 $0x4, s5;
	v12 =	vld.idx.msk [tilespmem:v12+s17+$0x0], $0xffff;
	v15 =	vor.u32 s7, v1  }
0x30: {  	[tilespmem:s2+$0x10] =	vst v7;
	v11 =	vld.idx.msk [tilespmem:v11+s17+$0x0], $0xffff;
	v7 =	vor.u32 s30, v1  }
0x31: {  	[tilespmem:s2+$0x0] =	vst v6;
	v6 =	vld.idx.msk [tilespmem:v8+s17+$0x0], $0xffff  }
0x32: {  	[tilespmem:s2+$0xFFFFFFF0] =	vst v9;
	v61 =	vld.idx.msk [tilespmem:v13+s17+$0x0], $0xffff  }
0x33: {  	[tilespmem:s0+$0xFFFFFFE0] =	vst v10;
	v62 =	vld.idx.msk [tilespmem:v14+s17+$0x0], $0xffff  }
0x34: {  	[tilespmem:s0+$0x10] =	vst v12;
	v63 =	vld.idx.msk [tilespmem:v15+s17+$0x0], $0xffff  }
0x35: {  	[tilespmem:s0+$0x0] =	vst v11;
	v7 =	vld.idx.msk [tilespmem:v7+s17+$0x0], $0xffff  }
0x36: {  	s31 =	sadd.s32 $0x40, s0;
	[tilespmem:s0+$0xFFFFFFF0] =	vst v6  }
0x37: {  	[tilespmem:s31+$0xFFFFFFE0] =	vst v61  }
0x38: {  	[tilespmem:s31+$0x10] =	vst v62  }
0x39: {  	[tilespmem:s31+$0x0] =	vst v63  }
0x3a: {  	s28 =	simm.s32 $0x0;
	[tilespmem:s31+$0xFFFFFFF0] =	vst v7  }
.LBB2_4:
0x3b: {  	_ =	swait.ge [sflag:s20], $0x2000  }
0x3c: {  	p1 =	seq.s32 s28, $0x0;
	[sflag:s20] =	ssyncset.done $0x0  }
0x3d: {  	s0 =	simm.s32 @!p1 $0x3;
	[sflag:s20] =	ssyncadd.s32 $0xFFFFE000  }
0x3e: {  	_ =	swait.ge @!p1 [sflag:s0], $0x8000  }
0x3f: {  	s29 =	sshll.u32 s28, $0x1;
	s30 =	sshll.u32 s28, $0x4;
	[sflag:s0] =	ssyncset.done @!p1 $0x0  }
0x40: {  	s2 =	simm.s32 $0x5880;
	s31 =	simm.s32 $0x0;
	[sflag:s0] =	ssyncadd.s32 @!p1 $0xFFFF8000  }
.LBB2_5:
0x41: {  	s0 =	sshll.u32 s31, $0xA  }
0x42: {  	s5 =	simm.s32 $0x20;
	s0 =	sand.u32 $0x3FFFFC00, s0  }
0x43: {  	s6 =	simm.s32 $0x0;
	s7 =	sand.u32 $0x380, s5;
	s0 =	sadd.s32 $0x1480, s0  }
0x44: {  	s8 =	sand.u32 $0x380, s6;
	s5 =	sand.u32 $0x60, s5;
	s7 =	sadd.s32 s7, s0  }
0x45: {  	s6 =	sand.u32 $0x40, s6;
	s8 =	sadd.s32 s8, s0;
	s5 =	sadd.s32 s5, s7  }
0x46: {  	s7 =	sadd.s32 s6, s8;
	v7 =	vld [tilespmem:s5+$0x0]  }
0x47: {  	v8 =	vld [tilespmem:s7+$0x10]  }
0x48: {  	v9 =	vld [tilespmem:s7+$0x0]  }
0x49: {  	s8 =	simm.s32 $0x30  }
0x4a: {  	s11 =	sand.u32 $0x380, s8  }
0x4b: {  	s6 =	sand.u32 $0x70, s8;
	s5 =	sadd.s32 s11, s0  }
0x4c: {  	s5 =	sadd.s32 s6, s5;
	v6 =	vperm.xlane v7, v2;
	v11 =	vperm.xlane v8, v2  }
0x4d: {  	v10 =	vld [tilespmem:s5+$0x0];
	v13 =	vperm.xlane v9, v2;
	v16 =	vperm.xlane v7, v4  }
0x4e: {  	s13 =	sadd.s32 s30, s31;
	v19 =	vperm.xlane v8, v3;
	v20 =	vperm.xlane v9, v3  }
0x4f: {  	s14 =	simm.s32 $0x60;
	s16 =	simm.s32 $0x70;
	v12 =	vmov s13;
	v22 =	vperm.xlane v9, v4;
	v9 =	vperm.xlane v9, v5  }
0x50: {  	s15 =	sand.u32 $0x380, s14;
	s18 =	sand.u32 $0x380, s16;
	v21 =	vperm.xlane v8, v4;
	v6 =	vshll.u32 v6, $0x4;
	v19 =	vshll.u32 v19, $0x4  }
0x51: {  	s6 =	sadd.s32 s15, s0;
	s5 =	sand.u32 $0x60, s14;
	s14 =	simm.s32 $0xB0;
	v20 =	vshll.u32 v20, $0x4;
	v25 =	vshll.u32 v9, $0x4;
	v14 =	vor.u32 v0, v6  }
0x52: {  	s24 =	sand.u32 $0x70, s16;
	s5 =	sadd.s32 s5, s6;
	s15 =	sand.u32 $0x380, s14;
	v6 =	vshll.u32 v11, $0x4;
	v17 =	vperm.xlane v10, v3;
	v18 =	vperm.xlane v10, v5  }
0x53: {  	s25 =	sadd.s32 s18, s0;
	s16 =	sand.u32 $0x70, s14;
	v23 =	vld [tilespmem:s5+$0x0];
	s18 =	sadd.s32 s15, s0;
	v20 =	vor.u32 v0, v20;
	v25 =	vor.u32 v0, v25;
	v11 =	vor.u32 v0, v6  }
0x54: {  	s6 =	sadd.s32 s24, s25;
	s24 =	sadd.s32 s16, s18;
	v6 =	vshll.u32 v13, $0x4;
	v13 =	vperm.xlane v7, v3;
	v7 =	vperm.xlane v7, v5  }
0x55: {  	s26 =	simm.s32 $0x40;
	v36 =	vld [tilespmem:s24+$0x0];
	v15 =	vor.u32 v0, v6;
	v17 =	vshll.u32 v17, $0x4;
	v18 =	vshll.u32 v18, $0x4  }
0x56: {  	s7 =	sand.u32 $0x380, s26;
	v6 =	vld.idx.msk [tilespmem:v12+s19+$0x0], $0xffff;
	v12 =	vshll.u32 v13, $0x4;
	v13 =	vperm.xlane v10, v4;
	v10 =	vperm.xlane v10, v2  }
0x57: {  	s8 =	sand.u32 $0x40, s26;
	v24 =	vshll.u32 v7, $0x4;
	v7 =	vshll.u32 v21, $0x4;
	v21 =	vshll.u32 v22, $0x4;
	v22 =	vld [tilespmem:s6+$0x0];
	s6 =	sadd.s32 s7, s0  }
0x58: {  	v29 =	vperm.xlane v23, v2;
	v30 =	vperm.xlane v23, v4;
	v17 =	vor.u32 v0, v17;
	s5 =	sadd.s32 s8, s6;
	v14 =	vld.idx.msk [tilespmem:v14+s4+$0x0], $0xffff  }
0x59: {  	v39 =	vor.u32 v0, v18;
	v21 =	vor.u32 v0, v21;
	v10 =	vshll.u32 v10, $0x4;
	v27 =	vld [tilespmem:s5+$0x0]  }
0x5a: {  	v26 =	vor.u32 v0, v7;
	v7 =	vperm.xlane v23, v3;
	v9 =	vor.u32 v0, v10;
	v15 =	vld.idx.msk [tilespmem:v15+s4+$0x0], $0xffff  }
0x5b: {  	v24 =	vor.u32 v0, v24;
	v11 =	vld.idx.msk [tilespmem:v11+s4+$0x0], $0xffff;
	v10 =	vperm.xlane v8, v5;
	v8 =	vor.u32 v0, v12  }
0x5c: {  	v18 =	vperm.xlane v36, v3;
	v13 =	vshll.u32 v13, $0x4;
	v28 =	vperm.xlane v22, v3  }
0x5d: {  	v31 =	vshll.u32 v7, $0x4;
	v12 =	vmul.f32 v14, v6;
	v14 =	vor.u32 v0, v19;
	v19 =	vld [tilespmem:s5+$0x10]  }
0x5e: {  	v7 =	vperm.xlane v23, v5;
	v31 =	vor.u32 v0, v31;
	v23 =	vshll.u32 v28, $0x4  }
0x5f: {  	v28 =	vshll.u32 v29, $0x4;
	v29 =	vperm.xlane v22, v5;
	v9 =	vld.idx.msk [tilespmem:v9+s4+$0x0], $0xffff;
	v15 =	vmul.f32 v15, v6;
	[tilespmem:s2+$0x0] =	vst v12  }
0x60: {  	s11 =	simm.s32 $0xA0;
	v57 =	vperm.xlane v27, v4;
	v11 =	vmul.f32 v11, v6;
	v28 =	vor.u32 v0, v28;
	v8 =	vld.idx.msk [tilespmem:v8+s4+$0x0], $0xffff  }
0x61: {  	s13 =	sand.u32 $0x380, s11;
	v12 =	vperm.xlane v22, v4;
	[tilespmem:s2+$0xFFFFFC00] =	vst v15;
	v15 =	vshll.u32 v16, $0x4;
	v16 =	vperm.xlane v27, v2  }
0x62: {  	s6 =	sadd.s32 s13, s0;
	s5 =	sand.u32 $0x60, s11;
	v22 =	vperm.xlane v22, v2;
	v32 =	vperm.xlane v19, v2;
	v15 =	vor.u32 v0, v15  }
0x63: {  	s5 =	sadd.s32 s5, s6;
	v20 =	vld.idx.msk [tilespmem:v20+s4+$0x0], $0xffff;
	v56 =	vperm.xlane v19, v3;
	v37 =	vperm.xlane v19, v5;
	v16 =	vshll.u32 v16, $0x4  }
0x64: {  	v58 =	vld [tilespmem:s5+$0x0];
	[tilespmem:s2+$0xFFFFFC40] =	vst v11;
	v9 =	vmul.f32 v9, v6;
	v32 =	vshll.u32 v32, $0x4;
	v16 =	vor.u32 v0, v16  }
0x65: {  	v14 =	vld.idx.msk [tilespmem:v14+s4+$0x0], $0xffff;
	v11 =	vor.u32 v0, v32;
	v33 =	vmul.f32 v8, v6;
	v8 =	vshll.u32 v12, $0x4  }
0x66: {  	s25 =	simm.s32 $0x80;
	v28 =	vld.idx.msk [tilespmem:v28+s4+$0x0], $0xffff;
	v12 =	vshll.u32 v22, $0x4;
	v22 =	vperm.xlane v27, v3;
	[tilespmem:s2+$0x40] =	vst v9;
	v9 =	vshll.u32 v10, $0x4  }
0x67: {  	s26 =	sand.u32 $0x380, s25;
	v32 =	vshll.u32 v56, $0x4;
	v10 =	vperm.xlane v19, v4;
	v17 =	vld.idx.msk [tilespmem:v17+s4+$0x0], $0xffff;
	v34 =	vor.u32 v0, v9;
	[tilespmem:s2+$0x10] =	vst v33  }
0x68: {  	s6 =	sand.u32 $0x40, s25;
	s5 =	sadd.s32 s26, s0;
	v9 =	vperm.xlane v27, v5;
	v19 =	vor.u32 v0, v12;
	v20 =	vmul.f32 v20, v6;
	v15 =	vld.idx.msk [tilespmem:v15+s4+$0x0], $0xffff  }
0x69: {  	s5 =	sadd.s32 s6, s5;
	v32 =	vor.u32 v0, v32;
	v22 =	vshll.u32 v22, $0x4;
	v35 =	vshll.u32 v10, $0x4;
	v16 =	vld.idx.msk [tilespmem:v16+s4+$0x0], $0xffff  }
0x6a: {  	v14 =	vmul.f32 v14, v6;
	v33 =	vperm.xlane v58, v2;
	v10 =	vshll.u32 v9, $0x4;
	[tilespmem:s2+$0xFFFFFC10] =	vst v20;
	v20 =	vld [tilespmem:s5+$0x0]  }
0x6b: {  	v9 =	vshll.u32 v29, $0x4;
	v29 =	vor.u32 v0, v13;
	v28 =	vmul.f32 v28, v6;
	v27 =	vld.idx.msk [tilespmem:v11+s4+$0x0], $0xffff  }
0x6c: {  	v13 =	vor.u32 v0, v35;
	v22 =	vor.u32 v0, v22;
	[tilespmem:s2+$0xFFFFFC50] =	vst v14;
	v59 =	vld.idx.msk [tilespmem:v21+s4+$0x0], $0xffff  }
0x6d: {  	s15 =	sadd.s32 $0x800, s2;
	v14 =	vperm.xlane v58, v4;
	v11 =	vshll.u32 v57, $0x4;
	v26 =	vld.idx.msk [tilespmem:v26+s4+$0x0], $0xffff;
	v21 =	vperm.xlane v36, v4  }
0x6e: {  	[tilespmem:s15+$0x0] =	vst v28;
	v11 =	vor.u32 v0, v11;
	v12 =	vmul.f32 v17, v6;
	v41 =	vld.idx.msk [tilespmem:v19+s4+$0x0], $0xffff  }
0x6f: {  	v17 =	vperm.xlane v58, v5;
	v19 =	vshll.u32 v18, $0x4;
	v60 =	vld.idx.msk [tilespmem:v31+s4+$0x0], $0xffff;
	v31 =	vperm.xlane v36, v2  }
0x70: {  	v18 =	vshll.u32 v21, $0x4;
	v21 =	vor.u32 v0, v23;
	v38 =	vmul.f32 v15, v6;
	[tilespmem:s2+$0x50] =	vst v12;
	v12 =	vld [tilespmem:s5+$0x10]  }
0x71: {  	v23 =	vshll.u32 v33, $0x4;
	v15 =	vperm.xlane v58, v3;
	v40 =	vmul.f32 v16, v6  }
0x72: {  	v61 =	vor.u32 v0, v23;
	v29 =	vld.idx.msk [tilespmem:v29+s4+$0x0], $0xffff;
	v62 =	vperm.xlane v20, v2;
	v27 =	vmul.f32 v27, v6  }
0x73: {  	v16 =	vshll.u32 v15, $0x4;
	v15 =	vperm.xlane v36, v5;
	v28 =	vmul.f32 v59, v6;
	[tilespmem:s2+$0x20] =	vst v38  }
0x74: {  	v30 =	vshll.u32 v30, $0x4;
	v26 =	vmul.f32 v26, v6;
	[tilespmem:s15+$0xFFFFFC00] =	vst v40;
	v38 =	vld.idx.msk [tilespmem:v24+s4+$0x0], $0xffff;
	v41 =	vmul.f32 v41, v6  }
0x75: {  	v7 =	vshll.u32 v7, $0x4;
	v36 =	vmul.f32 v60, v6;
	[tilespmem:s15+$0xFFFFFC40] =	vst v27;
	v42 =	vld.idx.msk [tilespmem:v22+s4+$0x0], $0xffff;
	v24 =	vperm.xlane v12, v2  }
0x76: {  	v22 =	vshll.u32 v31, $0x4;
	[tilespmem:s2+$0xFFFFFC60] =	vst v26;
	v26 =	vor.u32 v0, v30;
	v27 =	vperm.xlane v12, v3;
	v23 =	vld.idx.msk [tilespmem:v32+s4+$0x0], $0xffff  }
0x77: {  	[tilespmem:s2+$0xFFFFFC20] =	vst v28;
	v28 =	vperm.xlane v20, v3;
	v63 =	vmul.f32 v29, v6;
	v29 =	vld.idx.msk [tilespmem:v34+s4+$0x0], $0xffff;
	v24 =	vshll.u32 v24, $0x4  }
0x78: {  	v31 =	vor.u32 v0, v24;
	v24 =	vshll.u32 v27, $0x4;
	v27 =	vld.idx.msk [tilespmem:v25+s4+$0x0], $0xffff;
	v25 =	vshll.u32 v62, $0x4  }
0x79: {  	s7 =	smov.u32 s2;
	v35 =	vshll.u32 v37, $0x4;
	v32 =	vperm.xlane v12, v4;
	v30 =	vld.idx.msk [tilespmem:v61+s4+$0x0], $0xffff;
	[tilespmem:s2+$0x60] =	vst v63;
	v33 =	vor.u32 v0, v25  }
0x7a: {  	s8 =	simm.s32 $0x8;
	s11 =	simm.s32 $0xC0;
	s6 =	sadd.s32 $0x800, s15;
	[tilespmem:s15+$0x40] =	vst v41;
	v28 =	vshll.u32 v28, $0x4;
	v34 =	vmul.f32 v38, v6;
	v25 =	vld.idx.msk [tilespmem:v39+s4+$0x0], $0xffff;
	v37 =	vmul.f32 v42, v6  }
.LBB2_6:
0x7b: {  	s5 =	sand.u32 $0x380, s11;
	s16 =	sand.u32 $0x40, s11;
	s13 =	sadd.s32 $0x20, s11;
	v38 =	vperm.xlane v20, v4;
	v17 =	vshll.u32 v17, $0x4;
	v35 =	vor.u32 v0, v35;
	[tilespmem:s15+$0x10] =	vst v36;
	v21 =	vld.idx.msk [tilespmem:v21+s4+$0x0], $0xffff  }
0x7c: {  	s24 =	sadd.s32 $0x30, s11;
	v20 =	vperm.xlane v20, v5;
	v29 =	vmul.f32 v29, v6;
	s14 =	sand.u32 $0x380, s13;
	s13 =	sand.u32 $0x60, s13;
	v32 =	vshll.u32 v32, $0x4;
	[tilespmem:s15+$0xFFFFFC10] =	vst v37;
	v26 =	vld.idx.msk [tilespmem:v26+s4+$0x0], $0xffff  }
0x7d: {  	v23 =	vmul.f32 v23, v6;
	s5 =	sadd.s32 s5, s0;
	s25 =	sand.u32 $0x380, s24;
	v27 =	vmul.f32 v27, v6;
	s14 =	sadd.s32 s14, s0;
	v36 =	vshll.u32 v38, $0x4;
	v31 =	vld.idx.msk [tilespmem:v31+s4+$0x0], $0xffff;
	[tilespmem:s7+$0x30] =	vst v34  }
0x7e: {  	v15 =	vshll.u32 v15, $0x4;
	v20 =	vshll.u32 v20, $0x4;
	v34 =	vor.u32 v0, v8;
	v8 =	vmovc v18;
	s13 =	sadd.s32 s13, s14;
	s14 =	sand.u32 $0x70, s24;
	s24 =	sadd.s32 s25, s0;
	v33 =	vld.idx.msk [tilespmem:v33+s4+$0x0], $0xffff;
	[tilespmem:s7+$0xFFFFFC70] =	vst v29  }
0x7f: {  	s8 =	sadd.s32 $0x4, s8;
	v37 =	vperm.xlane v12, v5;
	v38 =	vor.u32 v0, v10;
	v10 =	vmul.f32 v25, v6;
	v18 =	vld [tilespmem:s13+$0x0];
	s13 =	sadd.s32 s14, s24;
	[tilespmem:s7+$0xFFFFFC30] =	vst v27  }
0x80: {  	v22 =	vor.u32 v0, v22;
	p0 =	slt.u32 s8, $0x3C;
	v27 =	vor.u32 v0, v36;
	v29 =	vmul.f32 v30, v6;
	v25 =	vld [tilespmem:s13+$0x0];
	[tilespmem:s15+$0xFFFFFC50] =	vst v23  }
0x81: {  	v23 =	vor.u32 v0, v24;
	v24 =	vor.u32 v0, v32;
	v12 =	vmul.f32 v21, v6;
	[tilespmem:s7+$0x70] =	vst v10;
	s7 =	smov.u32 s15;
	s15 =	smov.u32 s6  }
0x82: {  	v28 =	vor.u32 v0, v28;
	s5 =	sadd.s32 s16, s5;
	v32 =	vor.u32 v0, v9;
	v30 =	vld.idx.msk [tilespmem:v11+s4+$0x0], $0xffff;
	v11 =	vmul.f32 v26, v6  }
0x83: {  	v21 =	vor.u32 v0, v16;
	v40 =	vmul.f32 v31, v6;
	v10 =	vmov v20;
	v26 =	vld.idx.msk [tilespmem:v13+s4+$0x0], $0xffff;
	[tilespmem:s7+$0x50] =	vst v12  }
0x84: {  	v31 =	vmul.f32 v33, v6;
	v33 =	vor.u32 v0, v7;
	v12 =	vld [tilespmem:s5+$0x10];
	v13 =	vperm.xlane v18, v3;
	[tilespmem:s7+$0x20] =	vst v11  }
0x85: {  	v7 =	vmov v17;
	v36 =	vperm.xlane v18, v4;
	v41 =	vperm.xlane v25, v3;
	[tilespmem:s6+$0xFFFFFC40] =	vst v40;
	v39 =	vld.idx.msk [tilespmem:v22+s4+$0x0], $0xffff  }
0x86: {  	v9 =	vmovc v15;
	v17 =	vperm.xlane v18, v5;
	v42 =	vperm.xlane v25, v4;
	v16 =	vshll.u32 v13, $0x4;
	v34 =	vld.idx.msk [tilespmem:v34+s4+$0x0], $0xffff  }
0x87: {  	v22 =	vperm.xlane v18, v2;
	v15 =	vperm.xlane v25, v5;
	v11 =	vmovc v27;
	v20 =	vld [tilespmem:s5+$0x0];
	v40 =	vshll.u32 v41, $0x4;
	[tilespmem:s6+$0x0] =	vst v29  }
0x88: {  	v18 =	vshll.u32 v42, $0x4;
	v41 =	vld.idx.msk [tilespmem:v21+s4+$0x0], $0xffff;
	v21 =	vor.u32 v0, v19;
	v19 =	vmul.f32 v30, v6;
	v13 =	vmovc v24  }
0x89: {  	v22 =	vshll.u32 v22, $0x4;
	v24 =	vperm.xlane v25, v2;
	v25 =	vmul.f32 v26, v6;
	[tilespmem:s6+$0xFFFFFC00] =	vst v31;
	v30 =	vld.idx.msk [tilespmem:v33+s4+$0x0], $0xffff  }
0x8a: {  	v27 =	vshll.u32 v14, $0x4;
	v42 =	vor.u32 v0, v22;
	v26 =	vperm.xlane v12, v2;
	v43 =	vld.idx.msk [tilespmem:v28+s4+$0x0], $0xffff;
	[tilespmem:s7+$0xFFFFFC20] =	vst v19  }
0x8b: {  	v33 =	vperm.xlane v12, v3;
	v22 =	vshll.u32 v24, $0x4;
	v39 =	vmul.f32 v39, v6;
	v23 =	vld.idx.msk [tilespmem:v23+s4+$0x0], $0xffff;
	[tilespmem:s7+$0xFFFFFC60] =	vst v25  }
.Ltmp1:
0x8c: {  	v14 =	vmovc v36;
	v24 =	vshll.u32 v26, $0x4;
	v28 =	vmul.f32 v34, v6;
	v25 =	vperm.xlane v20, v2;
	v29 =	vld.idx.msk [tilespmem:v35+s4+$0x0], $0xffff;
	(pc) =	sbr.rel @p0 .LBB2_6-.Ltmp1, $4  }
0x8d: {  	v26 =	vor.u32 v0, v27;
	v31 =	vor.u32 v0, v24;
	v24 =	vshll.u32 v33, $0x4;
	v19 =	vmovc v40;
	v27 =	vld.idx.msk [tilespmem:v38+s4+$0x0], $0xffff  }
0x8e: {  	v38 =	vperm.xlane v20, v3;
	v36 =	vmul.f32 v41, v6;
	v25 =	vshll.u32 v25, $0x4;
	[tilespmem:s7+$0x60] =	vst v28  }
0x8f: {  	v35 =	vshll.u32 v37, $0x4;
	v34 =	vmul.f32 v30, v6;
	v33 =	vor.u32 v0, v25;
	v25 =	vld.idx.msk [tilespmem:v32+s4+$0x0], $0xffff  }
0x90: {  	s11 =	sadd.s32 $0x40, s11;
	s6 =	sadd.s32 $0x800, s6;
	v28 =	vshll.u32 v38, $0x4;
	v32 =	vperm.xlane v12, v4;
	v37 =	vmul.f32 v43, v6;
	v30 =	vld.idx.msk [tilespmem:v42+s4+$0x0], $0xffff;
	[tilespmem:s15+$0x40] =	vst v39  }
0x91: {  	_ = 	snop  }
0x92: {  	v22 =	vor.u32 v0, v22;
	_ =	sdelay $0x2  }
0x93: {  	v33 =	vld.idx.msk [tilespmem:v33+s4+$0x0], $0xffff  }
0x94: {  	v31 =	vld.idx.msk [tilespmem:v31+s4+$0x0], $0xffff  }
0x95: {  	[tilespmem:s15+$0x10] =	vst v36;
	v16 =	vor.u32 v0, v16;
	v22 =	vld.idx.msk [tilespmem:v22+s4+$0x0], $0xffff  }
0x96: {  	v29 =	vmul.f32 v29, v6;
	[tilespmem:s7+$0x30] =	vst v34;
	v28 =	vor.u32 v0, v28  }
0x97: {  	v24 =	vor.u32 v0, v24;
	[tilespmem:s15+$0xFFFFFC10] =	vst v37;
	v30 =	vmul.f32 v30, v6  }
0x98: {  	v19 =	vor.u32 v0, v19;
	[tilespmem:s7+$0xFFFFFC70] =	vst v29;
	v33 =	vmul.f32 v33, v6  }
0x99: {  	v39 =	vperm.xlane v20, v4;
	v21 =	vld.idx.msk [tilespmem:v21+s4+$0x0], $0xffff;
	v38 =	vmul.f32 v31, v6;
	[tilespmem:s6+$0x0] =	vst v30  }
0x9a: {  	v40 =	vor.u32 v0, v35;
	v16 =	vld.idx.msk [tilespmem:v16+s4+$0x0], $0xffff;
	[tilespmem:s6+$0xFFFFFC00] =	vst v33;
	v22 =	vmul.f32 v22, v6  }
0x9b: {  	v41 =	vperm.xlane v20, v5;
	v23 =	vmul.f32 v23, v6;
	[tilespmem:s6+$0xFFFFFC40] =	vst v38;
	v28 =	vld.idx.msk [tilespmem:v28+s4+$0x0], $0xffff  }
0x9c: {  	v8 =	vor.u32 v0, v8;
	v14 =	vshll.u32 v14, $0x4;
	v27 =	vmul.f32 v27, v6;
	v24 =	vld.idx.msk [tilespmem:v24+s4+$0x0], $0xffff;
	[tilespmem:s6+$0x40] =	vst v22  }
0x9d: {  	v14 =	vor.u32 v0, v14;
	v43 =	vshll.u32 v39, $0x4;
	[tilespmem:s15+$0xFFFFFC50] =	vst v23;
	v25 =	vmul.f32 v25, v6;
	v19 =	vld.idx.msk [tilespmem:v19+s4+$0x0], $0xffff  }
0x9e: {  	v42 =	vshll.u32 v32, $0x4;
	v26 =	vld.idx.msk [tilespmem:v26+s4+$0x0], $0xffff;
	[tilespmem:s7+$0xFFFFFC30] =	vst v27;
	v44 =	vor.u32 v0, v43;
	v21 =	vmul.f32 v21, v6  }
0x9f: {  	v11 =	vld.idx.msk [tilespmem:v11+s4+$0x0], $0xffff;
	[tilespmem:s7+$0x70] =	vst v25;
	v22 =	vor.u32 v0, v42;
	v16 =	vmul.f32 v16, v6  }
0xa0: {  	v18 =	vor.u32 v0, v18;
	v13 =	vld.idx.msk [tilespmem:v13+s4+$0x0], $0xffff;
	[tilespmem:s15+$0x50] =	vst v21;
	v46 =	vmul.f32 v28, v6  }
0xa1: {  	v7 =	vor.u32 v0, v7;
	v8 =	vld.idx.msk [tilespmem:v8+s4+$0x0], $0xffff;
	v45 =	vmul.f32 v24, v6;
	[tilespmem:s6+$0x10] =	vst v16  }
0xa2: {  	v10 =	vor.u32 v0, v10;
	v14 =	vld.idx.msk [tilespmem:v14+s4+$0x0], $0xffff;
	[tilespmem:s6+$0xFFFFFC10] =	vst v46;
	v47 =	vmul.f32 v19, v6  }
0xa3: {  	v12 =	vperm.xlane v12, v5;
	v48 =	vmul.f32 v26, v6;
	[tilespmem:s6+$0xFFFFFC50] =	vst v45;
	v49 =	vld.idx.msk [tilespmem:v44+s4+$0x0], $0xffff  }
0xa4: {  	v17 =	vshll.u32 v17, $0x4;
	v9 =	vor.u32 v0, v9;
	v11 =	vmul.f32 v11, v6;
	v21 =	vld.idx.msk [tilespmem:v22+s4+$0x0], $0xffff;
	[tilespmem:s6+$0x50] =	vst v47  }
0xa5: {  	v50 =	vor.u32 v0, v17;
	v52 =	vshll.u32 v41, $0x4;
	v13 =	vmul.f32 v13, v6;
	[tilespmem:s15+$0x20] =	vst v48;
	v51 =	vld.idx.msk [tilespmem:v18+s4+$0x0], $0xffff  }
0xa6: {  	v12 =	vshll.u32 v12, $0x4;
	v55 =	vor.u32 v0, v52;
	v7 =	vld.idx.msk [tilespmem:v7+s4+$0x0], $0xffff;
	[tilespmem:s15+$0xFFFFFC20] =	vst v11;
	v8 =	vmul.f32 v8, v6  }
0xa7: {  	v53 =	vshll.u32 v15, $0x4;
	v12 =	vor.u32 v0, v12;
	[tilespmem:s15+$0xFFFFFC60] =	vst v13;
	v10 =	vld.idx.msk [tilespmem:v10+s4+$0x0], $0xffff;
	v14 =	vmul.f32 v14, v6  }
0xa8: {  	v56 =	vor.u32 v0, v53;
	v54 =	vld.idx.msk [tilespmem:v40+s4+$0x0], $0xffff;
	[tilespmem:s15+$0x60] =	vst v8;
	v58 =	vmul.f32 v49, v6  }
0xa9: {  	v9 =	vld.idx.msk [tilespmem:v9+s4+$0x0], $0xffff;
	v57 =	vmul.f32 v21, v6;
	[tilespmem:s6+$0x20] =	vst v14  }
0xaa: {  	v16 =	vld.idx.msk [tilespmem:v50+s4+$0x0], $0xffff;
	[tilespmem:s6+$0xFFFFFC20] =	vst v58;
	v59 =	vmul.f32 v51, v6  }
0xab: {  	v7 =	vmul.f32 v7, v6;
	[tilespmem:s6+$0xFFFFFC60] =	vst v57;
	v14 =	vld.idx.msk [tilespmem:v55+s4+$0x0], $0xffff  }
0xac: {  	v10 =	vmul.f32 v10, v6;
	v12 =	vld.idx.msk [tilespmem:v12+s4+$0x0], $0xffff;
	[tilespmem:s6+$0x60] =	vst v59  }
0xad: {  	v11 =	vmul.f32 v54, v6;
	[tilespmem:s15+$0x30] =	vst v7;
	v7 =	vld.idx.msk [tilespmem:v56+s4+$0x0], $0xffff  }
0xae: {  	s31 =	sadd.s32 $0x1, s31;
	[tilespmem:s15+$0xFFFFFC30] =	vst v10;
	v60 =	vmul.f32 v9, v6  }
0xaf: {  	p0 =	sne.s32 s31, $0x8;
	[tilespmem:s15+$0xFFFFFC70] =	vst v11;
	v61 =	vmul.f32 v16, v6  }
.Ltmp2:
0xb0: {  	[tilespmem:s15+$0x70] =	vst v60;
	v63 =	vmul.f32 v14, v6;
	(pc) =	sbr.rel @p0 .LBB2_5-.Ltmp2, $4  }
0xb1: {  	v62 =	vmul.f32 v12, v6;
	[tilespmem:s6+$0x30] =	vst v61  }
0xb2: {  	[tilespmem:s6+$0xFFFFFC30] =	vst v63;
	v6 =	vmul.f32 v7, v6  }
0xb3: {  	[tilespmem:s6+$0xFFFFFC70] =	vst v62  }
0xb4: {  	s2 =	sadd.s32 $0x80, s2;
	[tilespmem:s6+$0x70] =	vst v6  }
0xb5: {  	p0 =	seq.s32 s28, $0x7  }
0xb6: {  	s30 =	sshll.u32 @!p0 s28, $0xF  }
0xb7: {  	s0 =	sadd.s32 @!p0 s12, s30  }
0xb8: {  	s0 =	sor.u32 @!p0 s3, s0  }
0xb9: {  	s26 =	sshll.u32 s28, $0xD;
	s2 =	simm.s32 @!p0 $0x80;
	s0 =	sshrl.u32 @!p0 s0, $0x3  }
0xba: {  	s5 =	simm.s32 @!p0 $0x100;
	s6 =	simm.s32 @!p0 $0x1480;
	s0 =	sadd.s32 @!p0 s1, s0  }
0xbb: {  	[tilespmem:s6], [sflag:$0x1] =	stream.strided.gather @!p0 [hbm4b:s0+s2], $0x2000, s5, s2, $0x38;
	[tilespmem:$0x15480] =	vst v63  }
0xbc: {  	s0 =	sadd.s32 s26, s9  }
0xbd: {  	[hbm4b:s0+s4] =	stream.linear.scatter [tilespmem:s21], [sflag:$0x3], $0x8000, $0x38;
	[tilespmem:$0x15480] =	vst v63  }
0xbe: {  	_ =	swait.ge [sflag:s22], $0x2000  }
0xbf: {  	[sflag:s22] =	ssyncset.done $0x0  }
0xc0: {  	s0 =	simm.s32 @!p1 $0x4;
	[sflag:s22] =	ssyncadd.s32 $0xFFFFE000  }
0xc1: {  	s29 =	sor.u32 $0x1, s29;
	_ =	swait.ge @!p1 [sflag:s0], $0x8000  }
0xc2: {  	s8 =	simm.s32 $0xD880;
	s15 =	simm.s32 $0x0;
	[sflag:s0] =	ssyncset.done @!p1 $0x0  }
0xc3: {  	s31 =	sshll.u32 s29, $0x3;
	s2 =	simm.s32 $0x0;
	[sflag:s0] =	ssyncadd.s32 @!p1 $0xFFFF8000  }
.LBB2_9:
0xc4: {  	s0 =	sshll.u32 s15, $0xA  }
0xc5: {  	s5 =	simm.s32 $0x20;
	s0 =	sand.u32 $0x3FFFFC00, s0  }
0xc6: {  	s14 =	sand.u32 $0x380, s5;
	s16 =	sadd.s32 $0x3480, s0  }
0xc7: {  	s6 =	sand.u32 $0x380, s2;
	s5 =	sand.u32 $0x60, s5;
	s0 =	sadd.s32 s14, s16  }
0xc8: {  	s7 =	sand.u32 $0x40, s2;
	s6 =	sadd.s32 s6, s16;
	s0 =	sadd.s32 s5, s0  }
0xc9: {  	s18 =	sadd.s32 s7, s6;
	v7 =	vld [tilespmem:s0+$0x0]  }
0xca: {  	s24 =	simm.s32 $0x30;
	v8 =	vld [tilespmem:s18+$0x10]  }
0xcb: {  	s25 =	sand.u32 $0x380, s24;
	v9 =	vld [tilespmem:s18+$0x0]  }
0xcc: {  	s5 =	sand.u32 $0x70, s24;
	s0 =	sadd.s32 s25, s16  }
0xcd: {  	s0 =	sadd.s32 s5, s0  }
0xce: {  	v10 =	vld [tilespmem:s0+$0x0]  }
0xcf: {  	v6 =	vperm.xlane v7, v2;
	v11 =	vperm.xlane v8, v2  }
0xd0: {  	v13 =	vperm.xlane v9, v2;
	v16 =	vperm.xlane v7, v4  }
0xd1: {  	s26 =	sadd.s32 s31, s15;
	v19 =	vperm.xlane v8, v3;
	v20 =	vperm.xlane v9, v3  }
0xd2: {  	v12 =	vmov s26;
	s5 =	simm.s32 $0x60;
	v21 =	vperm.xlane v8, v4;
	v22 =	vperm.xlane v9, v4  }
0xd3: {  	s18 =	simm.s32 $0x40;
	s6 =	sand.u32 $0x380, s5;
	v9 =	vperm.xlane v9, v5;
	v6 =	vshll.u32 v6, $0x4;
	v17 =	vperm.xlane v10, v3  }
0xd4: {  	s25 =	sand.u32 $0x380, s18;
	s0 =	sand.u32 $0x60, s5;
	s5 =	sadd.s32 s6, s16;
	v18 =	vperm.xlane v10, v5;
	v19 =	vshll.u32 v19, $0x4;
	v20 =	vshll.u32 v20, $0x4  }
0xd5: {  	s26 =	sand.u32 $0x40, s18;
	s0 =	sadd.s32 s0, s5;
	s5 =	sadd.s32 s25, s16;
	v25 =	vshll.u32 v9, $0x4;
	v14 =	vor.u32 v0, v6;
	v6 =	vshll.u32 v11, $0x4  }
0xd6: {  	s7 =	simm.s32 $0x70;
	v23 =	vld [tilespmem:s0+$0x0];
	s0 =	sadd.s32 s26, s5;
	v20 =	vor.u32 v0, v20;
	v25 =	vor.u32 v0, v25;
	v11 =	vor.u32 v0, v6  }
0xd7: {  	s11 =	sand.u32 $0x380, s7;
	v27 =	vld [tilespmem:s0+$0x0];
	v6 =	vshll.u32 v13, $0x4;
	v13 =	vperm.xlane v7, v3;
	v7 =	vperm.xlane v7, v5  }
0xd8: {  	s13 =	sand.u32 $0x70, s7;
	s14 =	sadd.s32 s11, s16;
	s11 =	simm.s32 $0xB0;
	v17 =	vshll.u32 v17, $0x4;
	v18 =	vshll.u32 v18, $0x4;
	v15 =	vor.u32 v0, v6  }
0xd9: {  	s24 =	sadd.s32 s13, s14;
	s13 =	sand.u32 $0x380, s11;
	v6 =	vld.idx.msk [tilespmem:v12+s19+$0x0], $0xffff;
	v12 =	vshll.u32 v13, $0x4;
	v13 =	vperm.xlane v10, v4;
	v10 =	vperm.xlane v10, v2  }
0xda: {  	s14 =	sand.u32 $0x70, s11;
	s18 =	sadd.s32 s13, s16;
	v24 =	vshll.u32 v7, $0x4;
	v7 =	vshll.u32 v21, $0x4;
	v21 =	vshll.u32 v22, $0x4;
	v22 =	vld [tilespmem:s24+$0x0]  }
0xdb: {  	v29 =	vperm.xlane v23, v2;
	v30 =	vperm.xlane v23, v4;
	v17 =	vor.u32 v0, v17;
	s24 =	sadd.s32 s14, s18;
	v14 =	vld.idx.msk [tilespmem:v14+s4+$0x0], $0xffff  }
0xdc: {  	v39 =	vor.u32 v0, v18;
	v57 =	vperm.xlane v27, v4;
	v36 =	vld [tilespmem:s24+$0x0];
	v10 =	vshll.u32 v10, $0x4  }
0xdd: {  	v26 =	vor.u32 v0, v7;
	v7 =	vperm.xlane v23, v3;
	v9 =	vor.u32 v0, v10;
	v15 =	vld.idx.msk [tilespmem:v15+s4+$0x0], $0xffff  }
0xde: {  	v21 =	vor.u32 v0, v21;
	v11 =	vld.idx.msk [tilespmem:v11+s4+$0x0], $0xffff;
	v10 =	vperm.xlane v8, v5;
	v8 =	vor.u32 v0, v12  }
0xdf: {  	v24 =	vor.u32 v0, v24;
	v13 =	vshll.u32 v13, $0x4;
	v31 =	vshll.u32 v7, $0x4  }
0xe0: {  	v28 =	vperm.xlane v22, v3;
	v12 =	vmul.f32 v14, v6;
	v14 =	vor.u32 v0, v19;
	v19 =	vld [tilespmem:s0+$0x10]  }
0xe1: {  	v7 =	vperm.xlane v23, v5;
	v31 =	vor.u32 v0, v31;
	v18 =	vperm.xlane v36, v3  }
0xe2: {  	v23 =	vshll.u32 v28, $0x4;
	v28 =	vshll.u32 v29, $0x4;
	v9 =	vld.idx.msk [tilespmem:v9+s4+$0x0], $0xffff;
	v15 =	vmul.f32 v15, v6;
	[tilespmem:s8+$0x0] =	vst v12  }
0xe3: {  	s6 =	simm.s32 $0xA0;
	v29 =	vperm.xlane v22, v5;
	v11 =	vmul.f32 v11, v6;
	v28 =	vor.u32 v0, v28;
	v8 =	vld.idx.msk [tilespmem:v8+s4+$0x0], $0xffff  }
0xe4: {  	s7 =	sand.u32 $0x380, s6;
	v12 =	vperm.xlane v22, v4;
	[tilespmem:s8+$0xFFFFFC00] =	vst v15;
	v15 =	vshll.u32 v16, $0x4;
	v16 =	vperm.xlane v27, v2  }
0xe5: {  	s5 =	sadd.s32 s7, s16;
	s0 =	sand.u32 $0x60, s6;
	v22 =	vperm.xlane v22, v2;
	v32 =	vperm.xlane v19, v2;
	v15 =	vor.u32 v0, v15  }
0xe6: {  	s0 =	sadd.s32 s0, s5;
	v20 =	vld.idx.msk [tilespmem:v20+s4+$0x0], $0xffff;
	v56 =	vperm.xlane v19, v3;
	v37 =	vperm.xlane v19, v5;
	v16 =	vshll.u32 v16, $0x4  }
0xe7: {  	v58 =	vld [tilespmem:s0+$0x0];
	[tilespmem:s8+$0xFFFFFC40] =	vst v11;
	v9 =	vmul.f32 v9, v6;
	v32 =	vshll.u32 v32, $0x4;
	v16 =	vor.u32 v0, v16  }
0xe8: {  	v14 =	vld.idx.msk [tilespmem:v14+s4+$0x0], $0xffff;
	v11 =	vor.u32 v0, v32;
	v33 =	vmul.f32 v8, v6;
	v8 =	vshll.u32 v12, $0x4  }
0xe9: {  	s25 =	simm.s32 $0x80;
	v28 =	vld.idx.msk [tilespmem:v28+s4+$0x0], $0xffff;
	v12 =	vshll.u32 v22, $0x4;
	v22 =	vperm.xlane v27, v3;
	[tilespmem:s8+$0x40] =	vst v9;
	v9 =	vshll.u32 v10, $0x4  }
0xea: {  	s26 =	sand.u32 $0x380, s25;
	v32 =	vshll.u32 v56, $0x4;
	v10 =	vperm.xlane v19, v4;
	v17 =	vld.idx.msk [tilespmem:v17+s4+$0x0], $0xffff;
	v34 =	vor.u32 v0, v9;
	[tilespmem:s8+$0x10] =	vst v33  }
0xeb: {  	s5 =	sand.u32 $0x40, s25;
	s0 =	sadd.s32 s26, s16;
	v9 =	vperm.xlane v27, v5;
	v19 =	vor.u32 v0, v12;
	v20 =	vmul.f32 v20, v6;
	v15 =	vld.idx.msk [tilespmem:v15+s4+$0x0], $0xffff  }
0xec: {  	s0 =	sadd.s32 s5, s0;
	v32 =	vor.u32 v0, v32;
	v22 =	vshll.u32 v22, $0x4;
	v35 =	vshll.u32 v10, $0x4;
	v16 =	vld.idx.msk [tilespmem:v16+s4+$0x0], $0xffff  }
0xed: {  	v14 =	vmul.f32 v14, v6;
	v33 =	vperm.xlane v58, v2;
	v10 =	vshll.u32 v9, $0x4;
	[tilespmem:s8+$0xFFFFFC10] =	vst v20;
	v20 =	vld [tilespmem:s0+$0x0]  }
0xee: {  	v9 =	vshll.u32 v29, $0x4;
	v29 =	vor.u32 v0, v13;
	v28 =	vmul.f32 v28, v6;
	v27 =	vld.idx.msk [tilespmem:v11+s4+$0x0], $0xffff  }
0xef: {  	v13 =	vor.u32 v0, v35;
	v22 =	vor.u32 v0, v22;
	[tilespmem:s8+$0xFFFFFC50] =	vst v14;
	v59 =	vld.idx.msk [tilespmem:v21+s4+$0x0], $0xffff  }
0xf0: {  	s6 =	sadd.s32 $0x800, s8;
	v14 =	vperm.xlane v58, v4;
	v11 =	vshll.u32 v57, $0x4;
	v26 =	vld.idx.msk [tilespmem:v26+s4+$0x0], $0xffff;
	v21 =	vperm.xlane v36, v4  }
0xf1: {  	[tilespmem:s6+$0x0] =	vst v28;
	v11 =	vor.u32 v0, v11;
	v12 =	vmul.f32 v17, v6;
	v41 =	vld.idx.msk [tilespmem:v19+s4+$0x0], $0xffff  }
0xf2: {  	v17 =	vperm.xlane v58, v5;
	v19 =	vshll.u32 v18, $0x4;
	v60 =	vld.idx.msk [tilespmem:v31+s4+$0x0], $0xffff;
	v31 =	vperm.xlane v36, v2  }
0xf3: {  	v18 =	vshll.u32 v21, $0x4;
	v21 =	vor.u32 v0, v23;
	v38 =	vmul.f32 v15, v6;
	[tilespmem:s8+$0x50] =	vst v12;
	v12 =	vld [tilespmem:s0+$0x10]  }
0xf4: {  	v23 =	vshll.u32 v33, $0x4;
	v15 =	vperm.xlane v58, v3;
	v40 =	vmul.f32 v16, v6  }
0xf5: {  	v61 =	vor.u32 v0, v23;
	v29 =	vld.idx.msk [tilespmem:v29+s4+$0x0], $0xffff;
	v62 =	vperm.xlane v20, v2;
	v27 =	vmul.f32 v27, v6  }
0xf6: {  	v16 =	vshll.u32 v15, $0x4;
	v15 =	vperm.xlane v36, v5;
	v28 =	vmul.f32 v59, v6;
	[tilespmem:s8+$0x20] =	vst v38  }
0xf7: {  	v30 =	vshll.u32 v30, $0x4;
	v26 =	vmul.f32 v26, v6;
	[tilespmem:s6+$0xFFFFFC00] =	vst v40;
	v38 =	vld.idx.msk [tilespmem:v24+s4+$0x0], $0xffff;
	v41 =	vmul.f32 v41, v6  }
0xf8: {  	v7 =	vshll.u32 v7, $0x4;
	v36 =	vmul.f32 v60, v6;
	[tilespmem:s6+$0xFFFFFC40] =	vst v27;
	v42 =	vld.idx.msk [tilespmem:v22+s4+$0x0], $0xffff;
	v24 =	vperm.xlane v12, v2  }
0xf9: {  	v22 =	vshll.u32 v31, $0x4;
	[tilespmem:s8+$0xFFFFFC60] =	vst v26;
	v26 =	vor.u32 v0, v30;
	v27 =	vperm.xlane v12, v3;
	v23 =	vld.idx.msk [tilespmem:v32+s4+$0x0], $0xffff  }
0xfa: {  	[tilespmem:s8+$0xFFFFFC20] =	vst v28;
	v28 =	vperm.xlane v20, v3;
	v63 =	vmul.f32 v29, v6;
	v29 =	vld.idx.msk [tilespmem:v34+s4+$0x0], $0xffff;
	v24 =	vshll.u32 v24, $0x4  }
0xfb: {  	v31 =	vor.u32 v0, v24;
	v24 =	vshll.u32 v27, $0x4;
	v27 =	vld.idx.msk [tilespmem:v25+s4+$0x0], $0xffff;
	v25 =	vshll.u32 v62, $0x4  }
0xfc: {  	s11 =	simm.s32 $0x8;
	v35 =	vshll.u32 v37, $0x4;
	v32 =	vperm.xlane v12, v4;
	v30 =	vld.idx.msk [tilespmem:v61+s4+$0x0], $0xffff;
	[tilespmem:s8+$0x60] =	vst v63;
	v33 =	vor.u32 v0, v25  }
0xfd: {  	s7 =	sadd.s32 $0x800, s6;
	s5 =	simm.s32 $0xC0;
	s0 =	smov.u32 s8;
	[tilespmem:s6+$0x40] =	vst v41;
	v28 =	vshll.u32 v28, $0x4;
	v34 =	vmul.f32 v38, v6;
	v25 =	vld.idx.msk [tilespmem:v39+s4+$0x0], $0xffff;
	v37 =	vmul.f32 v42, v6  }
.LBB2_10:
0xfe: {  	s13 =	sand.u32 $0x380, s5;
	s14 =	sand.u32 $0x40, s5;
	s24 =	sadd.s32 $0x20, s5;
	v38 =	vperm.xlane v20, v4;
	v17 =	vshll.u32 v17, $0x4;
	v35 =	vor.u32 v0, v35;
	[tilespmem:s6+$0x10] =	vst v36;
	v21 =	vld.idx.msk [tilespmem:v21+s4+$0x0], $0xffff  }
0xff: {  	s18 =	sadd.s32 $0x30, s5;
	v20 =	vperm.xlane v20, v5;
	v29 =	vmul.f32 v29, v6;
	s25 =	sand.u32 $0x380, s24;
	s24 =	sand.u32 $0x60, s24;
	v32 =	vshll.u32 v32, $0x4;
	[tilespmem:s6+$0xFFFFFC10] =	vst v37;
	v26 =	vld.idx.msk [tilespmem:v26+s4+$0x0], $0xffff  }
0x100: {  	v23 =	vmul.f32 v23, v6;
	s13 =	sadd.s32 s13, s16;
	s26 =	sand.u32 $0x380, s18;
	v27 =	vmul.f32 v27, v6;
	s25 =	sadd.s32 s25, s16;
	v36 =	vshll.u32 v38, $0x4;
	v31 =	vld.idx.msk [tilespmem:v31+s4+$0x0], $0xffff;
	[tilespmem:s0+$0x30] =	vst v34  }
0x101: {  	v15 =	vshll.u32 v15, $0x4;
	s18 =	sand.u32 $0x70, s18;
	v20 =	vshll.u32 v20, $0x4;
	v34 =	vor.u32 v0, v8;
	v8 =	vmovc v18;
	s24 =	sadd.s32 s24, s25;
	s25 =	sadd.s32 s26, s16;
	v33 =	vld.idx.msk [tilespmem:v33+s4+$0x0], $0xffff;
	[tilespmem:s0+$0xFFFFFC70] =	vst v29  }
0x102: {  	s11 =	sadd.s32 $0x4, s11;
	v37 =	vperm.xlane v12, v5;
	v38 =	vor.u32 v0, v10;
	v10 =	vmul.f32 v25, v6;
	v18 =	vld [tilespmem:s24+$0x0];
	s18 =	sadd.s32 s18, s25;
	[tilespmem:s0+$0xFFFFFC30] =	vst v27  }
0x103: {  	v22 =	vor.u32 v0, v22;
	p1 =	slt.u32 s11, $0x3C;
	v27 =	vor.u32 v0, v36;
	v29 =	vmul.f32 v30, v6;
	v25 =	vld [tilespmem:s18+$0x0];
	[tilespmem:s6+$0xFFFFFC50] =	vst v23  }
0x104: {  	v23 =	vor.u32 v0, v24;
	v24 =	vor.u32 v0, v32;
	v12 =	vmul.f32 v21, v6;
	[tilespmem:s0+$0x70] =	vst v10;
	s0 =	smov.u32 s6;
	s6 =	smov.u32 s7  }
0x105: {  	v28 =	vor.u32 v0, v28;
	s13 =	sadd.s32 s14, s13;
	v32 =	vor.u32 v0, v9;
	v30 =	vld.idx.msk [tilespmem:v11+s4+$0x0], $0xffff;
	v11 =	vmul.f32 v26, v6  }
0x106: {  	v21 =	vor.u32 v0, v16;
	v40 =	vmul.f32 v31, v6;
	v10 =	vmov v20;
	v26 =	vld.idx.msk [tilespmem:v13+s4+$0x0], $0xffff;
	[tilespmem:s0+$0x50] =	vst v12  }
0x107: {  	v31 =	vmul.f32 v33, v6;
	v33 =	vor.u32 v0, v7;
	v12 =	vld [tilespmem:s13+$0x10];
	v13 =	vperm.xlane v18, v3;
	[tilespmem:s0+$0x20] =	vst v11  }
0x108: {  	v7 =	vmov v17;
	v36 =	vperm.xlane v18, v4;
	v41 =	vperm.xlane v25, v3;
	[tilespmem:s7+$0xFFFFFC40] =	vst v40;
	v39 =	vld.idx.msk [tilespmem:v22+s4+$0x0], $0xffff  }
0x109: {  	v9 =	vmovc v15;
	v17 =	vperm.xlane v18, v5;
	v42 =	vperm.xlane v25, v4;
	v16 =	vshll.u32 v13, $0x4;
	v34 =	vld.idx.msk [tilespmem:v34+s4+$0x0], $0xffff  }
0x10a: {  	v22 =	vperm.xlane v18, v2;
	v15 =	vperm.xlane v25, v5;
	v11 =	vmovc v27;
	v20 =	vld [tilespmem:s13+$0x0];
	v40 =	vshll.u32 v41, $0x4;
	[tilespmem:s7+$0x0] =	vst v29  }
0x10b: {  	v18 =	vshll.u32 v42, $0x4;
	v41 =	vld.idx.msk [tilespmem:v21+s4+$0x0], $0xffff;
	v21 =	vor.u32 v0, v19;
	v19 =	vmul.f32 v30, v6;
	v13 =	vmovc v24  }
0x10c: {  	v22 =	vshll.u32 v22, $0x4;
	v24 =	vperm.xlane v25, v2;
	v25 =	vmul.f32 v26, v6;
	[tilespmem:s7+$0xFFFFFC00] =	vst v31;
	v30 =	vld.idx.msk [tilespmem:v33+s4+$0x0], $0xffff  }
0x10d: {  	v27 =	vshll.u32 v14, $0x4;
	v42 =	vor.u32 v0, v22;
	v26 =	vperm.xlane v12, v2;
	v43 =	vld.idx.msk [tilespmem:v28+s4+$0x0], $0xffff;
	[tilespmem:s0+$0xFFFFFC20] =	vst v19  }
0x10e: {  	v33 =	vperm.xlane v12, v3;
	v22 =	vshll.u32 v24, $0x4;
	v39 =	vmul.f32 v39, v6;
	v23 =	vld.idx.msk [tilespmem:v23+s4+$0x0], $0xffff;
	[tilespmem:s0+$0xFFFFFC60] =	vst v25  }
.Ltmp3:
0x10f: {  	v14 =	vmovc v36;
	v24 =	vshll.u32 v26, $0x4;
	v28 =	vmul.f32 v34, v6;
	v25 =	vperm.xlane v20, v2;
	v29 =	vld.idx.msk [tilespmem:v35+s4+$0x0], $0xffff;
	(pc) =	sbr.rel @p1 .LBB2_10-.Ltmp3, $4  }
0x110: {  	v26 =	vor.u32 v0, v27;
	v31 =	vor.u32 v0, v24;
	v24 =	vshll.u32 v33, $0x4;
	v19 =	vmovc v40;
	v27 =	vld.idx.msk [tilespmem:v38+s4+$0x0], $0xffff  }
0x111: {  	v38 =	vperm.xlane v20, v3;
	v36 =	vmul.f32 v41, v6;
	v25 =	vshll.u32 v25, $0x4;
	[tilespmem:s0+$0x60] =	vst v28  }
0x112: {  	v35 =	vshll.u32 v37, $0x4;
	v34 =	vmul.f32 v30, v6;
	v33 =	vor.u32 v0, v25;
	v25 =	vld.idx.msk [tilespmem:v32+s4+$0x0], $0xffff  }
0x113: {  	s5 =	sadd.s32 $0x40, s5;
	s7 =	sadd.s32 $0x800, s7;
	v28 =	vshll.u32 v38, $0x4;
	v32 =	vperm.xlane v12, v4;
	v37 =	vmul.f32 v43, v6;
	v30 =	vld.idx.msk [tilespmem:v42+s4+$0x0], $0xffff;
	[tilespmem:s6+$0x40] =	vst v39  }
0x114: {  	_ = 	snop  }
0x115: {  	v22 =	vor.u32 v0, v22;
	_ =	sdelay $0x2  }
0x116: {  	v33 =	vld.idx.msk [tilespmem:v33+s4+$0x0], $0xffff  }
0x117: {  	v31 =	vld.idx.msk [tilespmem:v31+s4+$0x0], $0xffff  }
0x118: {  	[tilespmem:s6+$0x10] =	vst v36;
	v16 =	vor.u32 v0, v16;
	v22 =	vld.idx.msk [tilespmem:v22+s4+$0x0], $0xffff  }
0x119: {  	v29 =	vmul.f32 v29, v6;
	[tilespmem:s0+$0x30] =	vst v34;
	v28 =	vor.u32 v0, v28  }
0x11a: {  	v24 =	vor.u32 v0, v24;
	[tilespmem:s6+$0xFFFFFC10] =	vst v37;
	v30 =	vmul.f32 v30, v6  }
0x11b: {  	v19 =	vor.u32 v0, v19;
	[tilespmem:s0+$0xFFFFFC70] =	vst v29;
	v33 =	vmul.f32 v33, v6  }
0x11c: {  	v39 =	vperm.xlane v20, v4;
	v21 =	vld.idx.msk [tilespmem:v21+s4+$0x0], $0xffff;
	v38 =	vmul.f32 v31, v6;
	[tilespmem:s7+$0x0] =	vst v30  }
0x11d: {  	v40 =	vor.u32 v0, v35;
	v16 =	vld.idx.msk [tilespmem:v16+s4+$0x0], $0xffff;
	[tilespmem:s7+$0xFFFFFC00] =	vst v33;
	v22 =	vmul.f32 v22, v6  }
0x11e: {  	v41 =	vperm.xlane v20, v5;
	v23 =	vmul.f32 v23, v6;
	[tilespmem:s7+$0xFFFFFC40] =	vst v38;
	v28 =	vld.idx.msk [tilespmem:v28+s4+$0x0], $0xffff  }
0x11f: {  	v8 =	vor.u32 v0, v8;
	v14 =	vshll.u32 v14, $0x4;
	v27 =	vmul.f32 v27, v6;
	v24 =	vld.idx.msk [tilespmem:v24+s4+$0x0], $0xffff;
	[tilespmem:s7+$0x40] =	vst v22  }
0x120: {  	v14 =	vor.u32 v0, v14;
	v43 =	vshll.u32 v39, $0x4;
	[tilespmem:s6+$0xFFFFFC50] =	vst v23;
	v25 =	vmul.f32 v25, v6;
	v19 =	vld.idx.msk [tilespmem:v19+s4+$0x0], $0xffff  }
0x121: {  	v42 =	vshll.u32 v32, $0x4;
	v26 =	vld.idx.msk [tilespmem:v26+s4+$0x0], $0xffff;
	[tilespmem:s0+$0xFFFFFC30] =	vst v27;
	v44 =	vor.u32 v0, v43;
	v21 =	vmul.f32 v21, v6  }
0x122: {  	v11 =	vld.idx.msk [tilespmem:v11+s4+$0x0], $0xffff;
	[tilespmem:s0+$0x70] =	vst v25;
	v22 =	vor.u32 v0, v42;
	v16 =	vmul.f32 v16, v6  }
0x123: {  	v18 =	vor.u32 v0, v18;
	v13 =	vld.idx.msk [tilespmem:v13+s4+$0x0], $0xffff;
	[tilespmem:s6+$0x50] =	vst v21;
	v46 =	vmul.f32 v28, v6  }
0x124: {  	v7 =	vor.u32 v0, v7;
	v8 =	vld.idx.msk [tilespmem:v8+s4+$0x0], $0xffff;
	v45 =	vmul.f32 v24, v6;
	[tilespmem:s7+$0x10] =	vst v16  }
0x125: {  	v10 =	vor.u32 v0, v10;
	v14 =	vld.idx.msk [tilespmem:v14+s4+$0x0], $0xffff;
	[tilespmem:s7+$0xFFFFFC10] =	vst v46;
	v47 =	vmul.f32 v19, v6  }
0x126: {  	v12 =	vperm.xlane v12, v5;
	v48 =	vmul.f32 v26, v6;
	[tilespmem:s7+$0xFFFFFC50] =	vst v45;
	v49 =	vld.idx.msk [tilespmem:v44+s4+$0x0], $0xffff  }
0x127: {  	v17 =	vshll.u32 v17, $0x4;
	v9 =	vor.u32 v0, v9;
	v11 =	vmul.f32 v11, v6;
	v21 =	vld.idx.msk [tilespmem:v22+s4+$0x0], $0xffff;
	[tilespmem:s7+$0x50] =	vst v47  }
0x128: {  	v50 =	vor.u32 v0, v17;
	v52 =	vshll.u32 v41, $0x4;
	v13 =	vmul.f32 v13, v6;
	[tilespmem:s6+$0x20] =	vst v48;
	v51 =	vld.idx.msk [tilespmem:v18+s4+$0x0], $0xffff  }
0x129: {  	v12 =	vshll.u32 v12, $0x4;
	v55 =	vor.u32 v0, v52;
	v7 =	vld.idx.msk [tilespmem:v7+s4+$0x0], $0xffff;
	[tilespmem:s6+$0xFFFFFC20] =	vst v11;
	v8 =	vmul.f32 v8, v6  }
0x12a: {  	v53 =	vshll.u32 v15, $0x4;
	v12 =	vor.u32 v0, v12;
	[tilespmem:s6+$0xFFFFFC60] =	vst v13;
	v10 =	vld.idx.msk [tilespmem:v10+s4+$0x0], $0xffff;
	v14 =	vmul.f32 v14, v6  }
0x12b: {  	v56 =	vor.u32 v0, v53;
	v54 =	vld.idx.msk [tilespmem:v40+s4+$0x0], $0xffff;
	[tilespmem:s6+$0x60] =	vst v8;
	v58 =	vmul.f32 v49, v6  }
0x12c: {  	v9 =	vld.idx.msk [tilespmem:v9+s4+$0x0], $0xffff;
	v57 =	vmul.f32 v21, v6;
	[tilespmem:s7+$0x20] =	vst v14  }
0x12d: {  	v16 =	vld.idx.msk [tilespmem:v50+s4+$0x0], $0xffff;
	[tilespmem:s7+$0xFFFFFC20] =	vst v58;
	v59 =	vmul.f32 v51, v6  }
0x12e: {  	v7 =	vmul.f32 v7, v6;
	[tilespmem:s7+$0xFFFFFC60] =	vst v57;
	v14 =	vld.idx.msk [tilespmem:v55+s4+$0x0], $0xffff  }
0x12f: {  	v10 =	vmul.f32 v10, v6;
	v12 =	vld.idx.msk [tilespmem:v12+s4+$0x0], $0xffff;
	[tilespmem:s7+$0x60] =	vst v59  }
0x130: {  	v11 =	vmul.f32 v54, v6;
	[tilespmem:s6+$0x30] =	vst v7;
	v7 =	vld.idx.msk [tilespmem:v56+s4+$0x0], $0xffff  }
0x131: {  	s15 =	sadd.s32 $0x1, s15;
	[tilespmem:s6+$0xFFFFFC30] =	vst v10;
	v60 =	vmul.f32 v9, v6  }
0x132: {  	p1 =	sne.s32 s15, $0x8;
	[tilespmem:s6+$0xFFFFFC70] =	vst v11;
	v61 =	vmul.f32 v16, v6  }
.Ltmp4:
0x133: {  	[tilespmem:s6+$0x70] =	vst v60;
	v63 =	vmul.f32 v14, v6;
	(pc) =	sbr.rel @p1 .LBB2_9-.Ltmp4, $4  }
0x134: {  	v62 =	vmul.f32 v12, v6;
	[tilespmem:s7+$0x30] =	vst v61  }
0x135: {  	[tilespmem:s7+$0xFFFFFC30] =	vst v63;
	v6 =	vmul.f32 v7, v6  }
0x136: {  	[tilespmem:s7+$0xFFFFFC70] =	vst v62  }
0x137: {  	s8 =	sadd.s32 $0x80, s8;
	[tilespmem:s7+$0x70] =	vst v6  }
0x138: {  	s0 =	sadd.s32 @!p0 s30, s10  }
0x139: {  	s0 =	sor.u32 @!p0 s3, s0  }
0x13a: {  	s2 =	simm.s32 @!p0 $0x80;
	s5 =	simm.s32 @!p0 $0x100;
	s0 =	sshrl.u32 @!p0 s0, $0x3  }
0x13b: {  	s6 =	simm.s32 @!p0 $0x3480;
	s28 =	sadd.s32 $0x1, s28;
	s0 =	sadd.s32 @!p0 s1, s0  }
0x13c: {  	[tilespmem:s6], [sflag:$0x2] =	stream.strided.gather @!p0 [hbm4b:s0+s2], $0x2000, s5, s2, $0x38;
	[tilespmem:$0x15480] =	vst v63  }
0x13d: {  	p0 =	sne.s32 s28, $0x8  }
.Ltmp5:
0x13e: {  	_ = 	snop;
	(pc) =	sbr.rel @p0 .LBB2_4-.Ltmp5, $4  }
0x13f: {  	_ = 	snop  }
0x140: {  	s31 =	sshll.u32 s29, $0xC  }
0x141: {  	s0 =	sadd.s32 s31, s9  }
0x142: {  	[hbm4b:s0+s4] =	stream.linear.scatter [tilespmem:s23], [sflag:$0x4], $0x8000, $0x38;
	[tilespmem:$0x15480] =	vst v63  }
0x143: {  	s0 =	simm.s32 $0x3  }
0x144: {  	_ =	swait.ge [sflag:s0], $0x8000  }
0x145: {  	[sflag:s0] =	ssyncset.done $0x0  }
0x146: {  	s2 =	simm.s32 $0x4;
	[sflag:s0] =	ssyncadd.s32 $0xFFFF8000  }
0x147: {  	_ =	swait.ge [sflag:s2], $0x8000  }
0x148: {  	s5 =	rddreg [dreg:$0xa]  }
0x149: {  	s31 =	rddreg [dreg:$0x9];
	s5 =	sadd.s32 $0x1, s5  }
0x14a: {  	p0 =	sne.s32 s5, s31  }
.Ltmp6:
0x14b: {  	_ = 	snop;
	(pc) =	sbr.rel @p0 .LBB2_1-.Ltmp6, $3  }
0x14c: {  	_ =	sdelay $0x1  }
0x14d: {  	[sflag:s2] =	ssyncset.done $0x0  }
0x14e: {  	[sflag:s2] =	ssyncadd.s32 $0xFFFF8000  }
0x14f: {  	_ =	sfence.sel $0x180000  }
0x150: {  	[bflag:$0x0] =	sbarrier.arrive $0xFFFF  }
0x151: {  	_ =	strace $0x90000047  }
0x152: {  	s0 =	stileid.u32;
	[bflag:$0x2] =	sbarrier.arrive $0xFFFF  }
0x153: {  	p0 =	sne.s32 s0, $0x0;
	s0 =	rddreg [dreg:$0x4]  }
0x154: {  	s0 =	sadd.s32 @!p0 $0x100000, s0  }
0x155: {  	[sflag:s0] =	ssyncadd.tile.s32 @!p0 $0x1;
	_ =	shalt  }
.Lfunc_end2:
_tile_overlayer_lowered:
.L_overlay_start_2:
0x156: {  	(tag) =	ssettag $0x2  }
0x157: {  	s0 =	rddreg [dreg:$0x0];
	s2 =	stileid.u32  }
0x158: {  	s1 =	rddreg [dreg:$0x1];
	p0 =	sne.s32 s2, $0x0  }
0x159: {  	s3 =	rddreg [dreg:$0x2];
	[bflag:$0x3] =	sbarrier.arrive $0xFFFF;
	s2 =	simm.s32 @!p0 $0x1C05  }
0x15a: {  	[timem:s3], [sflag:s2] =	dma.local @!p0 [hbm:s0], s1  }
0x15b: {  	s0 =	simm.s32 @!p0 $0x5  }
0x15c: {  	_ =	swait.ge @!p0 [sflag:s0], s1  }
0x15d: {  	s1 =	ssub.s32 @!p0 $0x0, s1;
	[sflag:s0] =	ssyncset.done @!p0 $0x0  }
0x15e: {  	[sflag:s0] =	ssyncadd.s32 @!p0 s1  }
0x15f: {  	[bflag:$0x3] =	sbarrier.arrive $0xFFFF  }
0x160: {  	_ =	shalt  }

</sc_bundles>
